<compile_context>
chip_gen: v7x
topology: tpu7x:2x2x1
jax: 0.10.2.dev20260603
libtpu: 0.0.44.dev20260713+nightly
codegen_flags: <defaults>
</compile_context>

<pallas_src>
import functools

import jax
import jax.numpy as jnp
from jax import lax
from jax.experimental import pallas as pl
from jax.experimental.pallas import tpu as pltpu
from jax.experimental.pallas import tpu_sc as plsc

N = 10000
E = 320000
D = 128

NC = 2
NS = 16
L = 16

EPT = E // (NC * NS)
KB = 80
NBB = EPT // KB

NPAD = 10240
HALF = NPAD // 2
GARB = HALF
SROWS = 5248
DNS = SROWS // NS
WBS = HALF // NS
BLK = 1024


def _pre_body(x_ref, w1at_ref, w1bt_ref, b1_ref, a_ref, b_ref):
    x = x_ref[...]
    a_ref[...] = jnp.dot(x, w1at_ref[...], preferred_element_type=jnp.float32) + b1_ref[...]
    b_ref[...] = jnp.dot(x, w1bt_ref[...], preferred_element_type=jnp.float32)


def _precompute(x_pad, w1at, w1bt, b1_row):
    grid = (NPAD // BLK,)
    return pl.pallas_call(
        _pre_body,
        grid=grid,
        in_specs=[
            pl.BlockSpec((BLK, D), lambda i: (i, 0)),
            pl.BlockSpec((D, D), lambda i: (0, 0)),
            pl.BlockSpec((D, D), lambda i: (0, 0)),
            pl.BlockSpec((1, D), lambda i: (0, 0)),
        ],
        out_specs=[
            pl.BlockSpec((BLK, D), lambda i: (i, 0)),
            pl.BlockSpec((BLK, D), lambda i: (i, 0)),
        ],
        out_shape=[
            jax.ShapeDtypeStruct((NPAD, D), jnp.float32),
            jax.ShapeDtypeStruct((NPAD, D), jnp.float32),
        ],
    )(x_pad, w1at, w1bt, b1_row)


def _sc_body(a_hbm, b_hbm, src_hbm, tgt_hbm, zn_hbm, ones_hbm,
             hp_hbm, deg_hbm,
             srcv, tgtv, idxb, ra, rb, onesb, acc):
    cid = lax.axis_index("c")
    sid = lax.axis_index("s")

    pltpu.sync_copy(src_hbm.at[cid, sid], srcv)
    pltpu.sync_copy(tgt_hbm.at[cid, sid], tgtv)
    pltpu.sync_copy(ones_hbm, onesb)

    garbv = jnp.full((L,), GARB, jnp.int32)
    halfv = jnp.full((L,), HALF, jnp.int32)

    def remap(j, lower):
        for g in range(KB // L):
            s = pl.ds(g * L, L)
            t = tgtv[j, s]
            if lower:
                iv = jnp.minimum(t, garbv)
            else:
                iv = jnp.where(t >= halfv, t - halfv, garbv)
            idxb[0, s] = iv

    def sweep(lower, hidden, out_hbm):
        pltpu.sync_copy(zn_hbm, acc.at[pl.ds(sid * DNS, DNS)])
        plsc.subcore_barrier()

        def chunk(j, c):
            remap(j, lower)
            if hidden:
                pltpu.sync_copy(a_hbm.at[srcv.at[j]], ra)
                pltpu.sync_copy(b_hbm.at[tgtv.at[j]], rb)

                def row(r, c2):
                    for g in range(D // L):
                        s = pl.ds(g * L, L)
                        ra[r, s] = jnp.maximum(ra[r, s] + rb[r, s], 0.0)
                    return c2

                lax.fori_loop(0, KB, row, 0)
                pltpu.sync_copy(ra, acc.at[idxb.at[0]], add=True)
            else:
                pltpu.sync_copy(onesb, acc.at[idxb.at[0]], add=True)
            return c

        lax.fori_loop(0, NBB, chunk, 0)
        plsc.subcore_barrier()

        off = 0 if lower else HALF
        pltpu.sync_copy(acc.at[pl.ds(sid * WBS, WBS)],
                        out_hbm.at[cid, pl.ds(off + sid * WBS, WBS)])
        plsc.subcore_barrier()

    sweep(True, True, hp_hbm)
    sweep(False, True, hp_hbm)
    sweep(True, False, deg_hbm)
    sweep(False, False, deg_hbm)


def _sc_edge_stage(a_pad, b_pad, src4, tgt4, zn, ones):
    mesh = plsc.VectorSubcoreMesh(core_axis_name="c", subcore_axis_name="s")
    run = functools.partial(
        pl.kernel,
        mesh=mesh,
        out_type=[
            jax.ShapeDtypeStruct((NC, NPAD, D), jnp.float32),
            jax.ShapeDtypeStruct((NC, NPAD, D), jnp.float32),
        ],
        scratch_types=[
            pltpu.VMEM((NBB, KB), jnp.int32),
            pltpu.VMEM((NBB, KB), jnp.int32),
            pltpu.VMEM((1, KB), jnp.int32),
            pltpu.VMEM((KB, D), jnp.float32),
            pltpu.VMEM((KB, D), jnp.float32),
            pltpu.VMEM((KB, D), jnp.float32),
            pltpu.VMEM_SHARED((SROWS, D), jnp.float32),
        ],
    )(_sc_body)
    return run(a_pad, b_pad, src4, tgt4, zn, ones)


def _post_body(hp_ref, degs_ref, x_ref, w2t_ref, b2_ref,
               wiht_ref, whht_ref, bih_ref, bhh_ref, out_ref):
    h = hp_ref[0] + hp_ref[1]
    deg = degs_ref[0, :, 0] + degs_ref[1, :, 0]
    agg = (jnp.dot(h, w2t_ref[...], preferred_element_type=jnp.float32)
           + deg[:, None] * b2_ref[...])
    gi = jnp.dot(agg, wiht_ref[...], preferred_element_type=jnp.float32) + bih_ref[...]
    x = x_ref[...]
    gh = jnp.dot(x, whht_ref[...], preferred_element_type=jnp.float32) + bhh_ref[...]
    r = jax.nn.sigmoid(gi[:, :D] + gh[:, :D])
    z = jax.nn.sigmoid(gi[:, D:2 * D] + gh[:, D:2 * D])
    n = jnp.tanh(gi[:, 2 * D:] + r * gh[:, 2 * D:])
    out_ref[...] = (1.0 - z) * n + z * x


def _postprocess(hp, degs, x_pad, w2t, b2_row, wiht, whht, bih_row, bhh_row):
    grid = (NPAD // BLK,)
    return pl.pallas_call(
        _post_body,
        grid=grid,
        in_specs=[
            pl.BlockSpec((NC, BLK, D), lambda i: (0, i, 0)),
            pl.BlockSpec((NC, BLK, D), lambda i: (0, i, 0)),
            pl.BlockSpec((BLK, D), lambda i: (i, 0)),
            pl.BlockSpec((D, D), lambda i: (0, 0)),
            pl.BlockSpec((1, D), lambda i: (0, 0)),
            pl.BlockSpec((D, 3 * D), lambda i: (0, 0)),
            pl.BlockSpec((D, 3 * D), lambda i: (0, 0)),
            pl.BlockSpec((1, 3 * D), lambda i: (0, 0)),
            pl.BlockSpec((1, 3 * D), lambda i: (0, 0)),
        ],
        out_specs=pl.BlockSpec((BLK, D), lambda i: (i, 0)),
        out_shape=jax.ShapeDtypeStruct((NPAD, D), jnp.float32),
    )(hp, degs, x_pad, w2t, b2_row, wiht, whht, bih_row, bhh_row)


def kernel(node_features, edges, W1, b1, W2, b2, W_ih, W_hh, b_ih, b_hh):
    x_pad = jnp.pad(node_features, ((0, NPAD - N), (0, 0)))

    src4 = edges[:, 0].reshape(NC, NS, NBB, KB)
    tgt4 = edges[:, 2].reshape(NC, NS, NBB, KB)

    w1at = W1[:, :D].T
    w1bt = W1[:, D:].T
    a, b = _precompute(x_pad, w1at, w1bt, b1[None, :])

    zn = jnp.zeros((DNS, D), jnp.float32)
    ones = jnp.ones((KB, D), jnp.float32)

    hp, degout = _sc_edge_stage(a, b, src4, tgt4, zn, ones)

    out = _postprocess(hp, degout, x_pad, W2.T, b2[None, :],
                       W_ih.T, W_hh.T, b_ih[None, :], b_hh[None, :])
    return out[:N]

# --- scband reference (transcript-rebuilt; emitter-appended) ---
"""Pipeline reference for scband-symbolic-gnnlayer-7275674599837 (READ-ONLY COPY).

The authoritative reference and input builder live on the scoring server;
editing this copy changes nothing except your own understanding.
"""

import jax, jax.numpy as jnp
import numpy as np

N = 10000
E = 320000
IN_DIM = 128
OUT_DIM = 128


def setup_inputs(seed: int = 0) -> dict:
    key = jax.random.key(seed)
    ks = jax.random.split(key, 12)
    node_features = jax.random.normal(ks[0], (N, IN_DIM), dtype=jnp.float32)
    edges = jax.random.randint(ks[1], (E, 3), 0, N, dtype=jnp.int32)
    # message_net: Linear(2*in_dim, out_dim) -> ReLU -> Linear(out_dim, out_dim)
    W1 = jax.random.normal(ks[2], (OUT_DIM, 2 * IN_DIM), dtype=jnp.float32) * 0.05
    b1 = jax.random.normal(ks[3], (OUT_DIM,), dtype=jnp.float32) * 0.05
    W2 = jax.random.normal(ks[4], (OUT_DIM, OUT_DIM), dtype=jnp.float32) * 0.05
    b2 = jax.random.normal(ks[5], (OUT_DIM,), dtype=jnp.float32) * 0.05
    # GRUCell(out_dim, out_dim)
    W_ih = jax.random.normal(ks[6], (3 * OUT_DIM, OUT_DIM), dtype=jnp.float32) * 0.05
    W_hh = jax.random.normal(ks[7], (3 * OUT_DIM, OUT_DIM), dtype=jnp.float32) * 0.05
    b_ih = jax.random.normal(ks[8], (3 * OUT_DIM,), dtype=jnp.float32) * 0.05
    b_hh = jax.random.normal(ks[9], (3 * OUT_DIM,), dtype=jnp.float32) * 0.05
    return {
        "node_features": node_features,
        "edges": edges,
        "W1": W1, "b1": b1, "W2": W2, "b2": b2,
        "W_ih": W_ih, "W_hh": W_hh, "b_ih": b_ih, "b_hh": b_hh,
    }


def reference(node_features, edges, W1, b1, W2, b2, W_ih, W_hh, b_ih, b_hh):
    num_nodes = node_features.shape[0]
    src = edges[:, 0]
    tgt = edges[:, 2]
    # message_net(cat(x[src], x[tgt]))
    m_in = jnp.concatenate([node_features[src], node_features[tgt]], axis=-1)
    h = jax.nn.relu(m_in @ W1.T + b1)
    msg = h @ W2.T + b2
    # scatter-add aggregation into target nodes
    aggregated = jnp.zeros((num_nodes, OUT_DIM), dtype=msg.dtype).at[tgt].add(msg)
    # GRUCell(aggregated as input, node_features as hidden)
    gi = aggregated @ W_ih.T + b_ih
    gh = node_features @ W_hh.T + b_hh
    i_r, i_z, i_n = jnp.split(gi, 3, axis=-1)
    h_r, h_z, h_n = jnp.split(gh, 3, axis=-1)
    r = jax.nn.sigmoid(i_r + h_r)
    z = jax.nn.sigmoid(i_z + h_z)
    n = jnp.tanh(i_n + r * h_n)
    updated = (1.0 - z) * n + z * node_features
    return updated

if __name__ == "__main__":
    import jax
    _d = setup_inputs()
    print(jax.jit(kernel)(*tuple(_d.values())))

</pallas_src>

<mosaic_0001>
#map = affine_map<(d0, d1) -> (0, 0)>
#map1 = affine_map<(d0, d1) -> (0, 0, 0, 0)>
#map2 = affine_map<(d0, d1) -> (0, 0, 0)>
module attributes {stable_mosaic.version = 14 : i64} {
  func.func @_sc_body(%arg0: i32, %arg1: i32, %arg2: memref<10240x128xf32, #tpu.memory_space<hbm>>, %arg3: memref<10240x128xf32, #tpu.memory_space<hbm>>, %arg4: memref<2x16x125x80xi32, #tpu.memory_space<hbm>>, %arg5: memref<2x16x125x80xi32, #tpu.memory_space<hbm>>, %arg6: memref<328x128xf32, #tpu.memory_space<hbm>>, %arg7: memref<80x128xf32, #tpu.memory_space<hbm>>, %arg8: memref<2x10240x128xf32, #tpu.memory_space<hbm>>, %arg9: memref<2x10240x128xf32, #tpu.memory_space<hbm>>, %arg10: memref<125x80xi32, #tpu.memory_space<vmem>>, %arg11: memref<125x80xi32, #tpu.memory_space<vmem>>, %arg12: memref<1x80xi32, #tpu.memory_space<vmem>>, %arg13: memref<80x128xf32, #tpu.memory_space<vmem>>, %arg14: memref<80x128xf32, #tpu.memory_space<vmem>>, %arg15: memref<80x128xf32, #tpu.memory_space<vmem>>, %arg16: memref<5248x128xf32, #tpu.memory_space<vmem_shared>>) attributes {dimension_semantics = [#tpu.dimension_semantics<core_parallel>, #tpu.dimension_semantics<subcore_parallel>], iteration_bounds = array<i64: 2, 16>, scalar_prefetch = 0 : i64, scratch_operands = 7 : i64, tpu.core_type = #tpu.core_type<sc_vector_subcore>, window_params = [{transform_indices = #map}, {transform_indices = #map}, {transform_indices = #map1}, {transform_indices = #map1}, {transform_indices = #map}, {transform_indices = #map}, {transform_indices = #map2}, {transform_indices = #map2}]} {
    "tpu.region"() ({
      %run_scoped3A = tpu.sem_alloc : memref<!tpu.dma_semaphore, #tpu.memory_space<semaphore_mem>>
      %dma_start3A = arith.constant 0 : i32
      %dma_start3A_67 = arith.constant 0 : i32
      %dma_start3A_68 = tpu.memref_slice %arg4[%arg0, %arg1, %dma_start3A, %dma_start3A_67] : memref<2x16x125x80xi32, #tpu.memory_space<hbm>> -> memref<1x1x125x80xi32, #tpu.memory_space<hbm>>
      %dma_start3A_69 = tpu.memref_squeeze %dma_start3A_68 : memref<1x1x125x80xi32, #tpu.memory_space<hbm>> -> memref<125x80xi32, #tpu.memory_space<hbm>>
      %dma_start3A_70 = arith.constant 0 : i32
      %dma_start3A_71 = arith.constant 0 : i32
      %dma_start3A_72 = tpu.memref_slice %arg4[%arg0, %arg1, %dma_start3A_70, %dma_start3A_71] : memref<2x16x125x80xi32, #tpu.memory_space<hbm>> -> memref<1x1x125x80xi32, #tpu.memory_space<hbm>>
      %dma_start3A_73 = tpu.memref_squeeze %dma_start3A_72 : memref<1x1x125x80xi32, #tpu.memory_space<hbm>> -> memref<125x80xi32, #tpu.memory_space<hbm>>
      tpu.enqueue_dma source(%dma_start3A_73 : memref<125x80xi32, #tpu.memory_space<hbm>>) target(%arg10 : memref<125x80xi32, #tpu.memory_space<vmem>>) target_semaphore(%run_scoped3A : memref<!tpu.dma_semaphore, #tpu.memory_space<semaphore_mem>>)
      %dma_wait3A = arith.constant 0 : i32
      %dma_wait3A_74 = arith.constant 0 : i32
      %dma_wait3A_75 = tpu.memref_slice %arg4[%arg0, %arg1, %dma_wait3A, %dma_wait3A_74] : memref<2x16x125x80xi32, #tpu.memory_space<hbm>> -> memref<1x1x125x80xi32, #tpu.memory_space<hbm>>
      %dma_wait3A_76 = tpu.memref_squeeze %dma_wait3A_75 : memref<1x1x125x80xi32, #tpu.memory_space<hbm>> -> memref<125x80xi32, #tpu.memory_space<hbm>>
      %dma_wait3A_77 = arith.constant 0 : i32
      %dma_wait3A_78 = arith.constant 0 : i32
      %dma_wait3A_79 = tpu.memref_slice %arg4[%arg0, %arg1, %dma_wait3A_77, %dma_wait3A_78] : memref<2x16x125x80xi32, #tpu.memory_space<hbm>> -> memref<1x1x125x80xi32, #tpu.memory_space<hbm>>
      %dma_wait3A_80 = tpu.memref_squeeze %dma_wait3A_79 : memref<1x1x125x80xi32, #tpu.memory_space<hbm>> -> memref<125x80xi32, #tpu.memory_space<hbm>>
      tpu.wait_dma2 semaphore(%run_scoped3A : memref<!tpu.dma_semaphore, #tpu.memory_space<semaphore_mem>>) src(%dma_wait3A_80 : memref<125x80xi32, #tpu.memory_space<hbm>>) dst(%arg10 : memref<125x80xi32, #tpu.memory_space<vmem>>)
      tpu.yield
    }) : () -> ()
    "tpu.region"() ({
      %run_scoped3A = tpu.sem_alloc : memref<!tpu.dma_semaphore, #tpu.memory_space<semaphore_mem>>
      %dma_start3A = arith.constant 0 : i32
      %dma_start3A_67 = arith.constant 0 : i32
      %dma_start3A_68 = tpu.memref_slice %arg5[%arg0, %arg1, %dma_start3A, %dma_start3A_67] : memref<2x16x125x80xi32, #tpu.memory_space<hbm>> -> memref<1x1x125x80xi32, #tpu.memory_space<hbm>>
      %dma_start3A_69 = tpu.memref_squeeze %dma_start3A_68 : memref<1x1x125x80xi32, #tpu.memory_space<hbm>> -> memref<125x80xi32, #tpu.memory_space<hbm>>
      %dma_start3A_70 = arith.constant 0 : i32
      %dma_start3A_71 = arith.constant 0 : i32
      %dma_start3A_72 = tpu.memref_slice %arg5[%arg0, %arg1, %dma_start3A_70, %dma_start3A_71] : memref<2x16x125x80xi32, #tpu.memory_space<hbm>> -> memref<1x1x125x80xi32, #tpu.memory_space<hbm>>
      %dma_start3A_73 = tpu.memref_squeeze %dma_start3A_72 : memref<1x1x125x80xi32, #tpu.memory_space<hbm>> -> memref<125x80xi32, #tpu.memory_space<hbm>>
      tpu.enqueue_dma source(%dma_start3A_73 : memref<125x80xi32, #tpu.memory_space<hbm>>) target(%arg11 : memref<125x80xi32, #tpu.memory_space<vmem>>) target_semaphore(%run_scoped3A : memref<!tpu.dma_semaphore, #tpu.memory_space<semaphore_mem>>)
      %dma_wait3A = arith.constant 0 : i32
      %dma_wait3A_74 = arith.constant 0 : i32
      %dma_wait3A_75 = tpu.memref_slice %arg5[%arg0, %arg1, %dma_wait3A, %dma_wait3A_74] : memref<2x16x125x80xi32, #tpu.memory_space<hbm>> -> memref<1x1x125x80xi32, #tpu.memory_space<hbm>>
      %dma_wait3A_76 = tpu.memref_squeeze %dma_wait3A_75 : memref<1x1x125x80xi32, #tpu.memory_space<hbm>> -> memref<125x80xi32, #tpu.memory_space<hbm>>
      %dma_wait3A_77 = arith.constant 0 : i32
      %dma_wait3A_78 = arith.constant 0 : i32
      %dma_wait3A_79 = tpu.memref_slice %arg5[%arg0, %arg1, %dma_wait3A_77, %dma_wait3A_78] : memref<2x16x125x80xi32, #tpu.memory_space<hbm>> -> memref<1x1x125x80xi32, #tpu.memory_space<hbm>>
      %dma_wait3A_80 = tpu.memref_squeeze %dma_wait3A_79 : memref<1x1x125x80xi32, #tpu.memory_space<hbm>> -> memref<125x80xi32, #tpu.memory_space<hbm>>
      tpu.wait_dma2 semaphore(%run_scoped3A : memref<!tpu.dma_semaphore, #tpu.memory_space<semaphore_mem>>) src(%dma_wait3A_80 : memref<125x80xi32, #tpu.memory_space<hbm>>) dst(%arg11 : memref<125x80xi32, #tpu.memory_space<vmem>>)
      tpu.yield
    }) : () -> ()
    "tpu.region"() ({
      %run_scoped3A = tpu.sem_alloc : memref<!tpu.dma_semaphore, #tpu.memory_space<semaphore_mem>>
      tpu.enqueue_dma source(%arg7 : memref<80x128xf32, #tpu.memory_space<hbm>>) target(%arg15 : memref<80x128xf32, #tpu.memory_space<vmem>>) target_semaphore(%run_scoped3A : memref<!tpu.dma_semaphore, #tpu.memory_space<semaphore_mem>>)
      tpu.wait_dma2 semaphore(%run_scoped3A : memref<!tpu.dma_semaphore, #tpu.memory_space<semaphore_mem>>) src(%arg7 : memref<80x128xf32, #tpu.memory_space<hbm>>) dst(%arg15 : memref<80x128xf32, #tpu.memory_space<vmem>>)
      tpu.yield
    }) : () -> ()
    %broadcast_in_dim3A = arith.constant 5120 : i32
    %broadcast_in_dim3A_0 = vector.broadcast %broadcast_in_dim3A : i32 to vector<16xi32>
    %broadcast_in_dim3A_1 = arith.constant 5120 : i32
    %broadcast_in_dim3A_2 = vector.broadcast %broadcast_in_dim3A_1 : i32 to vector<16xi32>
    %mul3A = arith.constant 328 : i32
    %mul3A_3 = arith.muli %arg1, %mul3A : i32
    "tpu.region"() ({
      %run_scoped3A = tpu.sem_alloc : memref<!tpu.dma_semaphore, #tpu.memory_space<semaphore_mem>>
      %dma_start3A = arith.constant 0 : i32
      %dma_start3A_67 = tpu.memref_slice %arg16[%mul3A_3, %dma_start3A] : memref<5248x128xf32, #tpu.memory_space<vmem_shared>> -> memref<328x128xf32, #tpu.memory_space<vmem_shared>>
      tpu.enqueue_dma source(%arg6 : memref<328x128xf32, #tpu.memory_space<hbm>>) target(%dma_start3A_67 : memref<328x128xf32, #tpu.memory_space<vmem_shared>>) target_semaphore(%run_scoped3A : memref<!tpu.dma_semaphore, #tpu.memory_space<semaphore_mem>>)
      %dma_wait3A = arith.constant 0 : i32
      %dma_wait3A_68 = tpu.memref_slice %arg16[%mul3A_3, %dma_wait3A] : memref<5248x128xf32, #tpu.memory_space<vmem_shared>> -> memref<328x128xf32, #tpu.memory_space<vmem_shared>>
      tpu.wait_dma2 semaphore(%run_scoped3A : memref<!tpu.dma_semaphore, #tpu.memory_space<semaphore_mem>>) src(%arg6 : memref<328x128xf32, #tpu.memory_space<hbm>>) dst(%dma_wait3A_68 : memref<328x128xf32, #tpu.memory_space<vmem_shared>>)
      tpu.yield
    }) : () -> ()
    %barrier3A = arith.constant 0 : index
    tpu.barrier barrier_id(%barrier3A)
    %scan3A = arith.constant 0 : i32
    %scan3A_4 = arith.constant 0 : i32
    %scan3A_5 = arith.constant 125 : i32
    %scan3A_6 = arith.addi %scan3A_4, %scan3A_5 : i32
    %scan3A_7 = arith.constant 1 : i32
    scf.for %scan3A_67 = %scan3A_4 to %scan3A_6 step %scan3A_7  : i32 {
      %get3A = arith.index_cast %scan3A_67 : i32 to index
      %get3A_68 = arith.constant 0 : index
      %get3A_69 = tpu.vector_load %arg11[%get3A, %get3A_68] {strides = array<i32>} : memref<125x80xi32, #tpu.memory_space<vmem>>, vector<1x16xi32>,
      %get3A_70 = vector.shape_cast %get3A_69 : vector<1x16xi32> to vector<16xi32>
      %min3A = arith.minsi %get3A_70, %broadcast_in_dim3A_0 : vector<16xi32>
      %swap3A = arith.constant 0 : i32
      %swap3A_71 = arith.index_cast %swap3A : i32 to index
      %swap3A_72 = arith.constant 0 : index
      %swap3A_73 = tpu.vector_load %arg12[%swap3A_71, %swap3A_72] {strides = array<i32>} : memref<1x80xi32, #tpu.memory_space<vmem>>, vector<1x16xi32>,
      %swap3A_74 = vector.shape_cast %swap3A_73 : vector<1x16xi32> to vector<16xi32>
      %swap3A_75 = vector.shape_cast %min3A : vector<16xi32> to vector<1x16xi32>
      tpu.vector_store %arg12[%swap3A_71, %swap3A_72], %swap3A_75 {strides = array<i32>} : memref<1x80xi32, #tpu.memory_space<vmem>>, vector<1x16xi32>,
      %get3A_76 = arith.index_cast %scan3A_67 : i32 to index
      %get3A_77 = arith.constant 16 : index
      %get3A_78 = tpu.vector_load %arg11[%get3A_76, %get3A_77] {strides = array<i32>} : memref<125x80xi32, #tpu.memory_space<vmem>>, vector<1x16xi32>,
      %get3A_79 = vector.shape_cast %get3A_78 : vector<1x16xi32> to vector<16xi32>
      %min3A_80 = arith.minsi %get3A_79, %broadcast_in_dim3A_0 : vector<16xi32>
      %swap3A_81 = arith.constant 0 : i32
      %swap3A_82 = arith.index_cast %swap3A_81 : i32 to index
      %swap3A_83 = arith.constant 16 : index
      %swap3A_84 = tpu.vector_load %arg12[%swap3A_82, %swap3A_83] {strides = array<i32>} : memref<1x80xi32, #tpu.memory_space<vmem>>, vector<1x16xi32>,
      %swap3A_85 = vector.shape_cast %swap3A_84 : vector<1x16xi32> to vector<16xi32>
      %swap3A_86 = vector.shape_cast %min3A_80 : vector<16xi32> to vector<1x16xi32>
      tpu.vector_store %arg12[%swap3A_82, %swap3A_83], %swap3A_86 {strides = array<i32>} : memref<1x80xi32, #tpu.memory_space<vmem>>, vector<1x16xi32>,
      %get3A_87 = arith.index_cast %scan3A_67 : i32 to index
      %get3A_88 = arith.constant 32 : index
      %get3A_89 = tpu.vector_load %arg11[%get3A_87, %get3A_88] {strides = array<i32>} : memref<125x80xi32, #tpu.memory_space<vmem>>, vector<1x16xi32>,
      %get3A_90 = vector.shape_cast %get3A_89 : vector<1x16xi32> to vector<16xi32>
      %min3A_91 = arith.minsi %get3A_90, %broadcast_in_dim3A_0 : vector<16xi32>
      %swap3A_92 = arith.constant 0 : i32
      %swap3A_93 = arith.index_cast %swap3A_92 : i32 to index
      %swap3A_94 = arith.constant 32 : index
      %swap3A_95 = tpu.vector_load %arg12[%swap3A_93, %swap3A_94] {strides = array<i32>} : memref<1x80xi32, #tpu.memory_space<vmem>>, vector<1x16xi32>,
      %swap3A_96 = vector.shape_cast %swap3A_95 : vector<1x16xi32> to vector<16xi32>
      %swap3A_97 = vector.shape_cast %min3A_91 : vector<16xi32> to vector<1x16xi32>
      tpu.vector_store %arg12[%swap3A_93, %swap3A_94], %swap3A_97 {strides = array<i32>} : memref<1x80xi32, #tpu.memory_space<vmem>>, vector<1x16xi32>,
      %get3A_98 = arith.index_cast %scan3A_67 : i32 to index
      %get3A_99 = arith.constant 48 : index
      %get3A_100 = tpu.vector_load %arg11[%get3A_98, %get3A_99] {strides = array<i32>} : memref<125x80xi32, #tpu.memory_space<vmem>>, vector<1x16xi32>,
      %get3A_101 = vector.shape_cast %get3A_100 : vector<1x16xi32> to vector<16xi32>
      %min3A_102 = arith.minsi %get3A_101, %broadcast_in_dim3A_0 : vector<16xi32>
      %swap3A_103 = arith.constant 0 : i32
      %swap3A_104 = arith.index_cast %swap3A_103 : i32 to index
      %swap3A_105 = arith.constant 48 : index
      %swap3A_106 = tpu.vector_load %arg12[%swap3A_104, %swap3A_105] {strides = array<i32>} : memref<1x80xi32, #tpu.memory_space<vmem>>, vector<1x16xi32>,
      %swap3A_107 = vector.shape_cast %swap3A_106 : vector<1x16xi32> to vector<16xi32>
      %swap3A_108 = vector.shape_cast %min3A_102 : vector<16xi32> to vector<1x16xi32>
      tpu.vector_store %arg12[%swap3A_104, %swap3A_105], %swap3A_108 {strides = array<i32>} : memref<1x80xi32, #tpu.memory_space<vmem>>, vector<1x16xi32>,
      %get3A_109 = arith.index_cast %scan3A_67 : i32 to index
      %get3A_110 = arith.constant 64 : index
      %get3A_111 = tpu.vector_load %arg11[%get3A_109, %get3A_110] {strides = array<i32>} : memref<125x80xi32, #tpu.memory_space<vmem>>, vector<1x16xi32>,
      %get3A_112 = vector.shape_cast %get3A_111 : vector<1x16xi32> to vector<16xi32>
      %min3A_113 = arith.minsi %get3A_112, %broadcast_in_dim3A_0 : vector<16xi32>
      %swap3A_114 = arith.constant 0 : i32
      %swap3A_115 = arith.index_cast %swap3A_114 : i32 to index
      %swap3A_116 = arith.constant 64 : index
      %swap3A_117 = tpu.vector_load %arg12[%swap3A_115, %swap3A_116] {strides = array<i32>} : memref<1x80xi32, #tpu.memory_space<vmem>>, vector<1x16xi32>,
      %swap3A_118 = vector.shape_cast %swap3A_117 : vector<1x16xi32> to vector<16xi32>
      %swap3A_119 = vector.shape_cast %min3A_113 : vector<16xi32> to vector<1x16xi32>
      tpu.vector_store %arg12[%swap3A_115, %swap3A_116], %swap3A_119 {strides = array<i32>} : memref<1x80xi32, #tpu.memory_space<vmem>>, vector<1x16xi32>,
      "tpu.region"() ({
        %run_scoped3A_126 = tpu.sem_alloc : memref<!tpu.dma_semaphore, #tpu.memory_space<semaphore_mem>>
        %dma_start3A = arith.constant 0 : i32
        %dma_start3A_127 = tpu.memref_slice %arg10[%scan3A_67, %dma_start3A] : memref<125x80xi32, #tpu.memory_space<vmem>> -> memref<1x80xi32, #tpu.memory_space<vmem>>
        %dma_start3A_128 = tpu.memref_squeeze %dma_start3A_127 : memref<1x80xi32, #tpu.memory_space<vmem>> -> memref<80xi32, #tpu.memory_space<vmem>>
        %dma_start3A_129 = arith.constant 0 : i32
        %dma_start3A_130 = arith.constant 0 : i32
        %dma_start3A_131 = tpu.memref_slice %arg2[%dma_start3A_129, %dma_start3A_130] : memref<10240x128xf32, #tpu.memory_space<hbm>> -> memref<10240x128xf32, #tpu.memory_space<hbm>>
        tpu.enqueue_indirect_dma source(%dma_start3A_131 : memref<10240x128xf32, #tpu.memory_space<hbm>>) target(%arg13 : memref<80x128xf32, #tpu.memory_space<vmem>>) offsets(%dma_start3A_128 : memref<80xi32, #tpu.memory_space<vmem>>) semaphore(%run_scoped3A_126 : memref<!tpu.dma_semaphore, #tpu.memory_space<semaphore_mem>>)
        %dma_wait3A = arith.constant 0 : i32
        %dma_wait3A_132 = tpu.memref_slice %arg10[%scan3A_67, %dma_wait3A] : memref<125x80xi32, #tpu.memory_space<vmem>> -> memref<1x80xi32, #tpu.memory_space<vmem>>
        %dma_wait3A_133 = tpu.memref_squeeze %dma_wait3A_132 : memref<1x80xi32, #tpu.memory_space<vmem>> -> memref<80xi32, #tpu.memory_space<vmem>>
        %dma_wait3A_134 = arith.constant 0 : i32
        %dma_wait3A_135 = arith.constant 0 : i32
        %dma_wait3A_136 = tpu.memref_slice %arg2[%dma_wait3A_134, %dma_wait3A_135] : memref<10240x128xf32, #tpu.memory_space<hbm>> -> memref<10240x128xf32, #tpu.memory_space<hbm>>
        tpu.wait_indirect_dma semaphore(%run_scoped3A_126 : memref<!tpu.dma_semaphore, #tpu.memory_space<semaphore_mem>>) src(%dma_wait3A_136 : memref<10240x128xf32, #tpu.memory_space<hbm>>) dst(%arg13 : memref<80x128xf32, #tpu.memory_space<vmem>>)
        tpu.yield
      }) : () -> ()
      "tpu.region"() ({
        %run_scoped3A_126 = tpu.sem_alloc : memref<!tpu.dma_semaphore, #tpu.memory_space<semaphore_mem>>
        %dma_start3A = arith.constant 0 : i32
        %dma_start3A_127 = tpu.memref_slice %arg11[%scan3A_67, %dma_start3A] : memref<125x80xi32, #tpu.memory_space<vmem>> -> memref<1x80xi32, #tpu.memory_space<vmem>>
        %dma_start3A_128 = tpu.memref_squeeze %dma_start3A_127 : memref<1x80xi32, #tpu.memory_space<vmem>> -> memref<80xi32, #tpu.memory_space<vmem>>
        %dma_start3A_129 = arith.constant 0 : i32
        %dma_start3A_130 = arith.constant 0 : i32
        %dma_start3A_131 = tpu.memref_slice %arg3[%dma_start3A_129, %dma_start3A_130] : memref<10240x128xf32, #tpu.memory_space<hbm>> -> memref<10240x128xf32, #tpu.memory_space<hbm>>
        tpu.enqueue_indirect_dma source(%dma_start3A_131 : memref<10240x128xf32, #tpu.memory_space<hbm>>) target(%arg14 : memref<80x128xf32, #tpu.memory_space<vmem>>) offsets(%dma_start3A_128 : memref<80xi32, #tpu.memory_space<vmem>>) semaphore(%run_scoped3A_126 : memref<!tpu.dma_semaphore, #tpu.memory_space<semaphore_mem>>)
        %dma_wait3A = arith.constant 0 : i32
        %dma_wait3A_132 = tpu.memref_slice %arg11[%scan3A_67, %dma_wait3A] : memref<125x80xi32, #tpu.memory_space<vmem>> -> memref<1x80xi32, #tpu.memory_space<vmem>>
        %dma_wait3A_133 = tpu.memref_squeeze %dma_wait3A_132 : memref<1x80xi32, #tpu.memory_space<vmem>> -> memref<80xi32, #tpu.memory_space<vmem>>
        %dma_wait3A_134 = arith.constant 0 : i32
        %dma_wait3A_135 = arith.constant 0 : i32
        %dma_wait3A_136 = tpu.memref_slice %arg3[%dma_wait3A_134, %dma_wait3A_135] : memref<10240x128xf32, #tpu.memory_space<hbm>> -> memref<10240x128xf32, #tpu.memory_space<hbm>>
        tpu.wait_indirect_dma semaphore(%run_scoped3A_126 : memref<!tpu.dma_semaphore, #tpu.memory_space<semaphore_mem>>) src(%dma_wait3A_136 : memref<10240x128xf32, #tpu.memory_space<hbm>>) dst(%arg14 : memref<80x128xf32, #tpu.memory_space<vmem>>)
        tpu.yield
      }) : () -> ()
      %scan3A_120 = arith.constant 0 : i32
      %scan3A_121 = arith.constant 0 : i32
      %scan3A_122 = arith.constant 80 : i32
      %scan3A_123 = arith.addi %scan3A_121, %scan3A_122 : i32
      %scan3A_124 = arith.constant 1 : i32
      scf.for %scan3A_126 = %scan3A_121 to %scan3A_123 step %scan3A_124  : i32 {
        %get3A_127 = arith.index_cast %scan3A_126 : i32 to index
        %get3A_128 = arith.constant 0 : index
        %get3A_129 = tpu.vector_load %arg13[%get3A_127, %get3A_128] {strides = array<i32>} : memref<80x128xf32, #tpu.memory_space<vmem>>, vector<1x16xf32>,
        %get3A_130 = vector.shape_cast %get3A_129 : vector<1x16xf32> to vector<16xf32>
        %get3A_131 = arith.index_cast %scan3A_126 : i32 to index
        %get3A_132 = arith.constant 0 : index
        %get3A_133 = tpu.vector_load %arg14[%get3A_131, %get3A_132] {strides = array<i32>} : memref<80x128xf32, #tpu.memory_space<vmem>>, vector<1x16xf32>,
        %get3A_134 = vector.shape_cast %get3A_133 : vector<1x16xf32> to vector<16xf32>
        %add3A_135 = arith.addf %get3A_130, %get3A_134 : vector<16xf32>
        %max3A = arith.constant 0.000000e+00 : f32
        %max3A_136 = vector.broadcast %max3A : f32 to vector<16xf32>
        %max3A_137 = arith.maximumf %add3A_135, %max3A_136 : vector<16xf32>
        %swap3A_138 = arith.index_cast %scan3A_126 : i32 to index
        %swap3A_139 = arith.constant 0 : index
        %swap3A_140 = tpu.vector_load %arg13[%swap3A_138, %swap3A_139] {strides = array<i32>} : memref<80x128xf32, #tpu.memory_space<vmem>>, vector<1x16xf32>,
        %swap3A_141 = vector.shape_cast %swap3A_140 : vector<1x16xf32> to vector<16xf32>
        %swap3A_142 = vector.shape_cast %max3A_137 : vector<16xf32> to vector<1x16xf32>
        tpu.vector_store %arg13[%swap3A_138, %swap3A_139], %swap3A_142 {strides = array<i32>} : memref<80x128xf32, #tpu.memory_space<vmem>>, vector<1x16xf32>,
        %get3A_143 = arith.index_cast %scan3A_126 : i32 to index
        %get3A_144 = arith.constant 16 : index
        %get3A_145 = tpu.vector_load %arg13[%get3A_143, %get3A_144] {strides = array<i32>} : memref<80x128xf32, #tpu.memory_space<vmem>>, vector<1x16xf32>,
        %get3A_146 = vector.shape_cast %get3A_145 : vector<1x16xf32> to vector<16xf32>
        %get3A_147 = arith.index_cast %scan3A_126 : i32 to index
        %get3A_148 = arith.constant 16 : index
        %get3A_149 = tpu.vector_load %arg14[%get3A_147, %get3A_148] {strides = array<i32>} : memref<80x128xf32, #tpu.memory_space<vmem>>, vector<1x16xf32>,
        %get3A_150 = vector.shape_cast %get3A_149 : vector<1x16xf32> to vector<16xf32>
        %add3A_151 = arith.addf %get3A_146, %get3A_150 : vector<16xf32>
        %max3A_152 = arith.constant 0.000000e+00 : f32
        %max3A_153 = vector.broadcast %max3A_152 : f32 to vector<16xf32>
        %max3A_154 = arith.maximumf %add3A_151, %max3A_153 : vector<16xf32>
        %swap3A_155 = arith.index_cast %scan3A_126 : i32 to index
        %swap3A_156 = arith.constant 16 : index
        %swap3A_157 = tpu.vector_load %arg13[%swap3A_155, %swap3A_156] {strides = array<i32>} : memref<80x128xf32, #tpu.memory_space<vmem>>, vector<1x16xf32>,
        %swap3A_158 = vector.shape_cast %swap3A_157 : vector<1x16xf32> to vector<16xf32>
        %swap3A_159 = vector.shape_cast %max3A_154 : vector<16xf32> to vector<1x16xf32>
        tpu.vector_store %arg13[%swap3A_155, %swap3A_156], %swap3A_159 {strides = array<i32>} : memref<80x128xf32, #tpu.memory_space<vmem>>, vector<1x16xf32>,
        %get3A_160 = arith.index_cast %scan3A_126 : i32 to index
        %get3A_161 = arith.constant 32 : index
        %get3A_162 = tpu.vector_load %arg13[%get3A_160, %get3A_161] {strides = array<i32>} : memref<80x128xf32, #tpu.memory_space<vmem>>, vector<1x16xf32>,
        %get3A_163 = vector.shape_cast %get3A_162 : vector<1x16xf32> to vector<16xf32>
        %get3A_164 = arith.index_cast %scan3A_126 : i32 to index
        %get3A_165 = arith.constant 32 : index
        %get3A_166 = tpu.vector_load %arg14[%get3A_164, %get3A_165] {strides = array<i32>} : memref<80x128xf32, #tpu.memory_space<vmem>>, vector<1x16xf32>,
        %get3A_167 = vector.shape_cast %get3A_166 : vector<1x16xf32> to vector<16xf32>
        %add3A_168 = arith.addf %get3A_163, %get3A_167 : vector<16xf32>
        %max3A_169 = arith.constant 0.000000e+00 : f32
        %max3A_170 = vector.broadcast %max3A_169 : f32 to vector<16xf32>
        %max3A_171 = arith.maximumf %add3A_168, %max3A_170 : vector<16xf32>
        %swap3A_172 = arith.index_cast %scan3A_126 : i32 to index
        %swap3A_173 = arith.constant 32 : index
        %swap3A_174 = tpu.vector_load %arg13[%swap3A_172, %swap3A_173] {strides = array<i32>} : memref<80x128xf32, #tpu.memory_space<vmem>>, vector<1x16xf32>,
        %swap3A_175 = vector.shape_cast %swap3A_174 : vector<1x16xf32> to vector<16xf32>
        %swap3A_176 = vector.shape_cast %max3A_171 : vector<16xf32> to vector<1x16xf32>
        tpu.vector_store %arg13[%swap3A_172, %swap3A_173], %swap3A_176 {strides = array<i32>} : memref<80x128xf32, #tpu.memory_space<vmem>>, vector<1x16xf32>,
        %get3A_177 = arith.index_cast %scan3A_126 : i32 to index
        %get3A_178 = arith.constant 48 : index
        %get3A_179 = tpu.vector_load %arg13[%get3A_177, %get3A_178] {strides = array<i32>} : memref<80x128xf32, #tpu.memory_space<vmem>>, vector<1x16xf32>,
        %get3A_180 = vector.shape_cast %get3A_179 : vector<1x16xf32> to vector<16xf32>
        %get3A_181 = arith.index_cast %scan3A_126 : i32 to index
        %get3A_182 = arith.constant 48 : index
        %get3A_183 = tpu.vector_load %arg14[%get3A_181, %get3A_182] {strides = array<i32>} : memref<80x128xf32, #tpu.memory_space<vmem>>, vector<1x16xf32>,
        %get3A_184 = vector.shape_cast %get3A_183 : vector<1x16xf32> to vector<16xf32>
        %add3A_185 = arith.addf %get3A_180, %get3A_184 : vector<16xf32>
        %max3A_186 = arith.constant 0.000000e+00 : f32
        %max3A_187 = vector.broadcast %max3A_186 : f32 to vector<16xf32>
        %max3A_188 = arith.maximumf %add3A_185, %max3A_187 : vector<16xf32>
        %swap3A_189 = arith.index_cast %scan3A_126 : i32 to index
        %swap3A_190 = arith.constant 48 : index
        %swap3A_191 = tpu.vector_load %arg13[%swap3A_189, %swap3A_190] {strides = array<i32>} : memref<80x128xf32, #tpu.memory_space<vmem>>, vector<1x16xf32>,
        %swap3A_192 = vector.shape_cast %swap3A_191 : vector<1x16xf32> to vector<16xf32>
        %swap3A_193 = vector.shape_cast %max3A_188 : vector<16xf32> to vector<1x16xf32>
        tpu.vector_store %arg13[%swap3A_189, %swap3A_190], %swap3A_193 {strides = array<i32>} : memref<80x128xf32, #tpu.memory_space<vmem>>, vector<1x16xf32>,
        %get3A_194 = arith.index_cast %scan3A_126 : i32 to index
        %get3A_195 = arith.constant 64 : index
        %get3A_196 = tpu.vector_load %arg13[%get3A_194, %get3A_195] {strides = array<i32>} : memref<80x128xf32, #tpu.memory_space<vmem>>, vector<1x16xf32>,
        %get3A_197 = vector.shape_cast %get3A_196 : vector<1x16xf32> to vector<16xf32>
        %get3A_198 = arith.index_cast %scan3A_126 : i32 to index
        %get3A_199 = arith.constant 64 : index
        %get3A_200 = tpu.vector_load %arg14[%get3A_198, %get3A_199] {strides = array<i32>} : memref<80x128xf32, #tpu.memory_space<vmem>>, vector<1x16xf32>,
        %get3A_201 = vector.shape_cast %get3A_200 : vector<1x16xf32> to vector<16xf32>
        %add3A_202 = arith.addf %get3A_197, %get3A_201 : vector<16xf32>
        %max3A_203 = arith.constant 0.000000e+00 : f32
        %max3A_204 = vector.broadcast %max3A_203 : f32 to vector<16xf32>
        %max3A_205 = arith.maximumf %add3A_202, %max3A_204 : vector<16xf32>
        %swap3A_206 = arith.index_cast %scan3A_126 : i32 to index
        %swap3A_207 = arith.constant 64 : index
        %swap3A_208 = tpu.vector_load %arg13[%swap3A_206, %swap3A_207] {strides = array<i32>} : memref<80x128xf32, #tpu.memory_space<vmem>>, vector<1x16xf32>,
        %swap3A_209 = vector.shape_cast %swap3A_208 : vector<1x16xf32> to vector<16xf32>
        %swap3A_210 = vector.shape_cast %max3A_205 : vector<16xf32> to vector<1x16xf32>
        tpu.vector_store %arg13[%swap3A_206, %swap3A_207], %swap3A_210 {strides = array<i32>} : memref<80x128xf32, #tpu.memory_space<vmem>>, vector<1x16xf32>,
        %get3A_211 = arith.index_cast %scan3A_126 : i32 to index
        %get3A_212 = arith.constant 80 : index
        %get3A_213 = tpu.vector_load %arg13[%get3A_211, %get3A_212] {strides = array<i32>} : memref<80x128xf32, #tpu.memory_space<vmem>>, vector<1x16xf32>,
        %get3A_214 = vector.shape_cast %get3A_213 : vector<1x16xf32> to vector<16xf32>
        %get3A_215 = arith.index_cast %scan3A_126 : i32 to index
        %get3A_216 = arith.constant 80 : index
        %get3A_217 = tpu.vector_load %arg14[%get3A_215, %get3A_216] {strides = array<i32>} : memref<80x128xf32, #tpu.memory_space<vmem>>, vector<1x16xf32>,
        %get3A_218 = vector.shape_cast %get3A_217 : vector<1x16xf32> to vector<16xf32>
        %add3A_219 = arith.addf %get3A_214, %get3A_218 : vector<16xf32>
        %max3A_220 = arith.constant 0.000000e+00 : f32
        %max3A_221 = vector.broadcast %max3A_220 : f32 to vector<16xf32>
        %max3A_222 = arith.maximumf %add3A_219, %max3A_221 : vector<16xf32>
        %swap3A_223 = arith.index_cast %scan3A_126 : i32 to index
        %swap3A_224 = arith.constant 80 : index
        %swap3A_225 = tpu.vector_load %arg13[%swap3A_223, %swap3A_224] {strides = array<i32>} : memref<80x128xf32, #tpu.memory_space<vmem>>, vector<1x16xf32>,
        %swap3A_226 = vector.shape_cast %swap3A_225 : vector<1x16xf32> to vector<16xf32>
        %swap3A_227 = vector.shape_cast %max3A_222 : vector<16xf32> to vector<1x16xf32>
        tpu.vector_store %arg13[%swap3A_223, %swap3A_224], %swap3A_227 {strides = array<i32>} : memref<80x128xf32, #tpu.memory_space<vmem>>, vector<1x16xf32>,
        %get3A_228 = arith.index_cast %scan3A_126 : i32 to index
        %get3A_229 = arith.constant 96 : index
        %get3A_230 = tpu.vector_load %arg13[%get3A_228, %get3A_229] {strides = array<i32>} : memref<80x128xf32, #tpu.memory_space<vmem>>, vector<1x16xf32>,
        %get3A_231 = vector.shape_cast %get3A_230 : vector<1x16xf32> to vector<16xf32>
        %get3A_232 = arith.index_cast %scan3A_126 : i32 to index
        %get3A_233 = arith.constant 96 : index
        %get3A_234 = tpu.vector_load %arg14[%get3A_232, %get3A_233] {strides = array<i32>} : memref<80x128xf32, #tpu.memory_space<vmem>>, vector<1x16xf32>,
        %get3A_235 = vector.shape_cast %get3A_234 : vector<1x16xf32> to vector<16xf32>
        %add3A_236 = arith.addf %get3A_231, %get3A_235 : vector<16xf32>
        %max3A_237 = arith.constant 0.000000e+00 : f32
        %max3A_238 = vector.broadcast %max3A_237 : f32 to vector<16xf32>
        %max3A_239 = arith.maximumf %add3A_236, %max3A_238 : vector<16xf32>
        %swap3A_240 = arith.index_cast %scan3A_126 : i32 to index
        %swap3A_241 = arith.constant 96 : index
        %swap3A_242 = tpu.vector_load %arg13[%swap3A_240, %swap3A_241] {strides = array<i32>} : memref<80x128xf32, #tpu.memory_space<vmem>>, vector<1x16xf32>,
        %swap3A_243 = vector.shape_cast %swap3A_242 : vector<1x16xf32> to vector<16xf32>
        %swap3A_244 = vector.shape_cast %max3A_239 : vector<16xf32> to vector<1x16xf32>
        tpu.vector_store %arg13[%swap3A_240, %swap3A_241], %swap3A_244 {strides = array<i32>} : memref<80x128xf32, #tpu.memory_space<vmem>>, vector<1x16xf32>,
        %get3A_245 = arith.index_cast %scan3A_126 : i32 to index
        %get3A_246 = arith.constant 112 : index
        %get3A_247 = tpu.vector_load %arg13[%get3A_245, %get3A_246] {strides = array<i32>} : memref<80x128xf32, #tpu.memory_space<vmem>>, vector<1x16xf32>,
        %get3A_248 = vector.shape_cast %get3A_247 : vector<1x16xf32> to vector<16xf32>
        %get3A_249 = arith.index_cast %scan3A_126 : i32 to index
        %get3A_250 = arith.constant 112 : index
        %get3A_251 = tpu.vector_load %arg14[%get3A_249, %get3A_250] {strides = array<i32>} : memref<80x128xf32, #tpu.memory_space<vmem>>, vector<1x16xf32>,
        %get3A_252 = vector.shape_cast %get3A_251 : vector<1x16xf32> to vector<16xf32>
        %add3A_253 = arith.addf %get3A_248, %get3A_252 : vector<16xf32>
        %max3A_254 = arith.constant 0.000000e+00 : f32
        %max3A_255 = vector.broadcast %max3A_254 : f32 to vector<16xf32>
        %max3A_256 = arith.maximumf %add3A_253, %max3A_255 : vector<16xf32>
        %swap3A_257 = arith.index_cast %scan3A_126 : i32 to index
        %swap3A_258 = arith.constant 112 : index
        %swap3A_259 = tpu.vector_load %arg13[%swap3A_257, %swap3A_258] {strides = array<i32>} : memref<80x128xf32, #tpu.memory_space<vmem>>, vector<1x16xf32>,
        %swap3A_260 = vector.shape_cast %swap3A_259 : vector<1x16xf32> to vector<16xf32>
        %swap3A_261 = vector.shape_cast %max3A_256 : vector<16xf32> to vector<1x16xf32>
        tpu.vector_store %arg13[%swap3A_257, %swap3A_258], %swap3A_261 {strides = array<i32>} : memref<80x128xf32, #tpu.memory_space<vmem>>, vector<1x16xf32>,
      }
      %scan3A_125 = arith.constant 80 : i32
      %run_scoped3A = arith.constant 0 : i32
      "tpu.region"() ({
        %run_scoped3A_126 = tpu.sem_alloc : memref<!tpu.dma_semaphore, #tpu.memory_space<semaphore_mem>>
        %dma_start3A = arith.constant 0 : i32
        %dma_start3A_127 = tpu.memref_slice %arg12[%run_scoped3A, %dma_start3A] : memref<1x80xi32, #tpu.memory_space<vmem>> -> memref<1x80xi32, #tpu.memory_space<vmem>>
        %dma_start3A_128 = tpu.memref_squeeze %dma_start3A_127 : memref<1x80xi32, #tpu.memory_space<vmem>> -> memref<80xi32, #tpu.memory_space<vmem>>
        %dma_start3A_129 = arith.constant 0 : i32
        %dma_start3A_130 = arith.constant 0 : i32
        %dma_start3A_131 = tpu.memref_slice %arg16[%dma_start3A_129, %dma_start3A_130] : memref<5248x128xf32, #tpu.memory_space<vmem_shared>> -> memref<5248x128xf32, #tpu.memory_space<vmem_shared>>
        tpu.enqueue_indirect_dma source(%arg13 : memref<80x128xf32, #tpu.memory_space<vmem>>) target(%dma_start3A_131 : memref<5248x128xf32, #tpu.memory_space<vmem_shared>>) offsets(%dma_start3A_128 : memref<80xi32, #tpu.memory_space<vmem>>) semaphore(%run_scoped3A_126 : memref<!tpu.dma_semaphore, #tpu.memory_space<semaphore_mem>>) {add = true}
        %dma_wait3A = arith.constant 0 : i32
        %dma_wait3A_132 = tpu.memref_slice %arg12[%run_scoped3A, %dma_wait3A] : memref<1x80xi32, #tpu.memory_space<vmem>> -> memref<1x80xi32, #tpu.memory_space<vmem>>
        %dma_wait3A_133 = tpu.memref_squeeze %dma_wait3A_132 : memref<1x80xi32, #tpu.memory_space<vmem>> -> memref<80xi32, #tpu.memory_space<vmem>>
        %dma_wait3A_134 = arith.constant 0 : i32
        %dma_wait3A_135 = arith.constant 0 : i32
        %dma_wait3A_136 = tpu.memref_slice %arg16[%dma_wait3A_134, %dma_wait3A_135] : memref<5248x128xf32, #tpu.memory_space<vmem_shared>> -> memref<5248x128xf32, #tpu.memory_space<vmem_shared>>
        tpu.wait_indirect_dma semaphore(%run_scoped3A_126 : memref<!tpu.dma_semaphore, #tpu.memory_space<semaphore_mem>>) src(%arg13 : memref<80x128xf32, #tpu.memory_space<vmem>>) dst(%dma_wait3A_136 : memref<5248x128xf32, #tpu.memory_space<vmem_shared>>)
        tpu.yield
      }) : () -> ()
    }
    %scan3A_8 = arith.constant 125 : i32
    %barrier3A_9 = arith.constant 0 : index
    tpu.barrier barrier_id(%barrier3A_9)
    %mul3A_10 = arith.constant 320 : i32
    %mul3A_11 = arith.muli %arg1, %mul3A_10 : i32
    %mul3A_12 = arith.constant 320 : i32
    %mul3A_13 = arith.muli %arg1, %mul3A_12 : i32
    %add3A = arith.constant 0 : i32
    %add3A_14 = arith.addi %add3A, %mul3A_13 : i32
    "tpu.region"() ({
      %run_scoped3A = tpu.sem_alloc : memref<!tpu.dma_semaphore, #tpu.memory_space<semaphore_mem>>
      %dma_start3A = arith.constant 0 : i32
      %dma_start3A_67 = tpu.memref_slice %arg8[%arg0, %add3A_14, %dma_start3A] : memref<2x10240x128xf32, #tpu.memory_space<hbm>> -> memref<1x320x128xf32, #tpu.memory_space<hbm>>
      %dma_start3A_68 = tpu.memref_squeeze %dma_start3A_67 : memref<1x320x128xf32, #tpu.memory_space<hbm>> -> memref<320x128xf32, #tpu.memory_space<hbm>>
      %dma_start3A_69 = arith.constant 0 : i32
      %dma_start3A_70 = tpu.memref_slice %arg16[%mul3A_11, %dma_start3A_69] : memref<5248x128xf32, #tpu.memory_space<vmem_shared>> -> memref<320x128xf32, #tpu.memory_space<vmem_shared>>
      tpu.enqueue_dma source(%dma_start3A_70 : memref<320x128xf32, #tpu.memory_space<vmem_shared>>) target(%dma_start3A_68 : memref<320x128xf32, #tpu.memory_space<hbm>>) target_semaphore(%run_scoped3A : memref<!tpu.dma_semaphore, #tpu.memory_space<semaphore_mem>>)
      %dma_wait3A = arith.constant 0 : i32
      %dma_wait3A_71 = tpu.memref_slice %arg8[%arg0, %add3A_14, %dma_wait3A] : memref<2x10240x128xf32, #tpu.memory_space<hbm>> -> memref<1x320x128xf32, #tpu.memory_space<hbm>>
      %dma_wait3A_72 = tpu.memref_squeeze %dma_wait3A_71 : memref<1x320x128xf32, #tpu.memory_space<hbm>> -> memref<320x128xf32, #tpu.memory_space<hbm>>
      %dma_wait3A_73 = arith.constant 0 : i32
      %dma_wait3A_74 = tpu.memref_slice %arg16[%mul3A_11, %dma_wait3A_73] : memref<5248x128xf32, #tpu.memory_space<vmem_shared>> -> memref<320x128xf32, #tpu.memory_space<vmem_shared>>
      tpu.wait_dma2 semaphore(%run_scoped3A : memref<!tpu.dma_semaphore, #tpu.memory_space<semaphore_mem>>) src(%dma_wait3A_74 : memref<320x128xf32, #tpu.memory_space<vmem_shared>>) dst(%dma_wait3A_72 : memref<320x128xf32, #tpu.memory_space<hbm>>)
      tpu.yield
    }) : () -> ()
    %barrier3A_15 = arith.constant 0 : index
    tpu.barrier barrier_id(%barrier3A_15)
    %mul3A_16 = arith.constant 328 : i32
    %mul3A_17 = arith.muli %arg1, %mul3A_16 : i32
    "tpu.region"() ({
      %run_scoped3A = tpu.sem_alloc : memref<!tpu.dma_semaphore, #tpu.memory_space<semaphore_mem>>
      %dma_start3A = arith.constant 0 : i32
      %dma_start3A_67 = tpu.memref_slice %arg16[%mul3A_17, %dma_start3A] : memref<5248x128xf32, #tpu.memory_space<vmem_shared>> -> memref<328x128xf32, #tpu.memory_space<vmem_shared>>
      tpu.enqueue_dma source(%arg6 : memref<328x128xf32, #tpu.memory_space<hbm>>) target(%dma_start3A_67 : memref<328x128xf32, #tpu.memory_space<vmem_shared>>) target_semaphore(%run_scoped3A : memref<!tpu.dma_semaphore, #tpu.memory_space<semaphore_mem>>)
      %dma_wait3A = arith.constant 0 : i32
      %dma_wait3A_68 = tpu.memref_slice %arg16[%mul3A_17, %dma_wait3A] : memref<5248x128xf32, #tpu.memory_space<vmem_shared>> -> memref<328x128xf32, #tpu.memory_space<vmem_shared>>
      tpu.wait_dma2 semaphore(%run_scoped3A : memref<!tpu.dma_semaphore, #tpu.memory_space<semaphore_mem>>) src(%arg6 : memref<328x128xf32, #tpu.memory_space<hbm>>) dst(%dma_wait3A_68 : memref<328x128xf32, #tpu.memory_space<vmem_shared>>)
      tpu.yield
    }) : () -> ()
    %barrier3A_18 = arith.constant 0 : index
    tpu.barrier barrier_id(%barrier3A_18)
    %scan3A_19 = arith.constant 0 : i32
    %scan3A_20 = arith.constant 0 : i32
    %scan3A_21 = arith.constant 125 : i32
    %scan3A_22 = arith.addi %scan3A_20, %scan3A_21 : i32
    %scan3A_23 = arith.constant 1 : i32
    scf.for %scan3A_67 = %scan3A_20 to %scan3A_22 step %scan3A_23  : i32 {
      %get3A = arith.index_cast %scan3A_67 : i32 to index
      %get3A_68 = arith.constant 0 : index
      %get3A_69 = tpu.vector_load %arg11[%get3A, %get3A_68] {strides = array<i32>} : memref<125x80xi32, #tpu.memory_space<vmem>>, vector<1x16xi32>,
      %get3A_70 = vector.shape_cast %get3A_69 : vector<1x16xi32> to vector<16xi32>
      %ge3A = arith.cmpi sge, %get3A_70, %broadcast_in_dim3A_2 : vector<16xi32>
      %sub3A = arith.subi %get3A_70, %broadcast_in_dim3A_2 : vector<16xi32>
      %select_n3A = arith.select %ge3A, %sub3A, %broadcast_in_dim3A_0 : vector<16xi1>, vector<16xi32>
      %swap3A = arith.constant 0 : i32
      %swap3A_71 = arith.index_cast %swap3A : i32 to index
      %swap3A_72 = arith.constant 0 : index
      %swap3A_73 = tpu.vector_load %arg12[%swap3A_71, %swap3A_72] {strides = array<i32>} : memref<1x80xi32, #tpu.memory_space<vmem>>, vector<1x16xi32>,
      %swap3A_74 = vector.shape_cast %swap3A_73 : vector<1x16xi32> to vector<16xi32>
      %swap3A_75 = vector.shape_cast %select_n3A : vector<16xi32> to vector<1x16xi32>
      tpu.vector_store %arg12[%swap3A_71, %swap3A_72], %swap3A_75 {strides = array<i32>} : memref<1x80xi32, #tpu.memory_space<vmem>>, vector<1x16xi32>,
      %get3A_76 = arith.index_cast %scan3A_67 : i32 to index
      %get3A_77 = arith.constant 16 : index
      %get3A_78 = tpu.vector_load %arg11[%get3A_76, %get3A_77] {strides = array<i32>} : memref<125x80xi32, #tpu.memory_space<vmem>>, vector<1x16xi32>,
      %get3A_79 = vector.shape_cast %get3A_78 : vector<1x16xi32> to vector<16xi32>
      %ge3A_80 = arith.cmpi sge, %get3A_79, %broadcast_in_dim3A_2 : vector<16xi32>
      %sub3A_81 = arith.subi %get3A_79, %broadcast_in_dim3A_2 : vector<16xi32>
      %select_n3A_82 = arith.select %ge3A_80, %sub3A_81, %broadcast_in_dim3A_0 : vector<16xi1>, vector<16xi32>
      %swap3A_83 = arith.constant 0 : i32
      %swap3A_84 = arith.index_cast %swap3A_83 : i32 to index
      %swap3A_85 = arith.constant 16 : index
      %swap3A_86 = tpu.vector_load %arg12[%swap3A_84, %swap3A_85] {strides = array<i32>} : memref<1x80xi32, #tpu.memory_space<vmem>>, vector<1x16xi32>,
      %swap3A_87 = vector.shape_cast %swap3A_86 : vector<1x16xi32> to vector<16xi32>
      %swap3A_88 = vector.shape_cast %select_n3A_82 : vector<16xi32> to vector<1x16xi32>
      tpu.vector_store %arg12[%swap3A_84, %swap3A_85], %swap3A_88 {strides = array<i32>} : memref<1x80xi32, #tpu.memory_space<vmem>>, vector<1x16xi32>,
      %get3A_89 = arith.index_cast %scan3A_67 : i32 to index
      %get3A_90 = arith.constant 32 : index
      %get3A_91 = tpu.vector_load %arg11[%get3A_89, %get3A_90] {strides = array<i32>} : memref<125x80xi32, #tpu.memory_space<vmem>>, vector<1x16xi32>,
      %get3A_92 = vector.shape_cast %get3A_91 : vector<1x16xi32> to vector<16xi32>
      %ge3A_93 = arith.cmpi sge, %get3A_92, %broadcast_in_dim3A_2 : vector<16xi32>
      %sub3A_94 = arith.subi %get3A_92, %broadcast_in_dim3A_2 : vector<16xi32>
      %select_n3A_95 = arith.select %ge3A_93, %sub3A_94, %broadcast_in_dim3A_0 : vector<16xi1>, vector<16xi32>
      %swap3A_96 = arith.constant 0 : i32
      %swap3A_97 = arith.index_cast %swap3A_96 : i32 to index
      %swap3A_98 = arith.constant 32 : index
      %swap3A_99 = tpu.vector_load %arg12[%swap3A_97, %swap3A_98] {strides = array<i32>} : memref<1x80xi32, #tpu.memory_space<vmem>>, vector<1x16xi32>,
      %swap3A_100 = vector.shape_cast %swap3A_99 : vector<1x16xi32> to vector<16xi32>
      %swap3A_101 = vector.shape_cast %select_n3A_95 : vector<16xi32> to vector<1x16xi32>
      tpu.vector_store %arg12[%swap3A_97, %swap3A_98], %swap3A_101 {strides = array<i32>} : memref<1x80xi32, #tpu.memory_space<vmem>>, vector<1x16xi32>,
      %get3A_102 = arith.index_cast %scan3A_67 : i32 to index
      %get3A_103 = arith.constant 48 : index
      %get3A_104 = tpu.vector_load %arg11[%get3A_102, %get3A_103] {strides = array<i32>} : memref<125x80xi32, #tpu.memory_space<vmem>>, vector<1x16xi32>,
      %get3A_105 = vector.shape_cast %get3A_104 : vector<1x16xi32> to vector<16xi32>
      %ge3A_106 = arith.cmpi sge, %get3A_105, %broadcast_in_dim3A_2 : vector<16xi32>
      %sub3A_107 = arith.subi %get3A_105, %broadcast_in_dim3A_2 : vector<16xi32>
      %select_n3A_108 = arith.select %ge3A_106, %sub3A_107, %broadcast_in_dim3A_0 : vector<16xi1>, vector<16xi32>
      %swap3A_109 = arith.constant 0 : i32
      %swap3A_110 = arith.index_cast %swap3A_109 : i32 to index
      %swap3A_111 = arith.constant 48 : index
      %swap3A_112 = tpu.vector_load %arg12[%swap3A_110, %swap3A_111] {strides = array<i32>} : memref<1x80xi32, #tpu.memory_space<vmem>>, vector<1x16xi32>,
      %swap3A_113 = vector.shape_cast %swap3A_112 : vector<1x16xi32> to vector<16xi32>
      %swap3A_114 = vector.shape_cast %select_n3A_108 : vector<16xi32> to vector<1x16xi32>
      tpu.vector_store %arg12[%swap3A_110, %swap3A_111], %swap3A_114 {strides = array<i32>} : memref<1x80xi32, #tpu.memory_space<vmem>>, vector<1x16xi32>,
      %get3A_115 = arith.index_cast %scan3A_67 : i32 to index
      %get3A_116 = arith.constant 64 : index
      %get3A_117 = tpu.vector_load %arg11[%get3A_115, %get3A_116] {strides = array<i32>} : memref<125x80xi32, #tpu.memory_space<vmem>>, vector<1x16xi32>,
      %get3A_118 = vector.shape_cast %get3A_117 : vector<1x16xi32> to vector<16xi32>
      %ge3A_119 = arith.cmpi sge, %get3A_118, %broadcast_in_dim3A_2 : vector<16xi32>
      %sub3A_120 = arith.subi %get3A_118, %broadcast_in_dim3A_2 : vector<16xi32>
      %select_n3A_121 = arith.select %ge3A_119, %sub3A_120, %broadcast_in_dim3A_0 : vector<16xi1>, vector<16xi32>
      %swap3A_122 = arith.constant 0 : i32
      %swap3A_123 = arith.index_cast %swap3A_122 : i32 to index
      %swap3A_124 = arith.constant 64 : index
      %swap3A_125 = tpu.vector_load %arg12[%swap3A_123, %swap3A_124] {strides = array<i32>} : memref<1x80xi32, #tpu.memory_space<vmem>>, vector<1x16xi32>,
      %swap3A_126 = vector.shape_cast %swap3A_125 : vector<1x16xi32> to vector<16xi32>
      %swap3A_127 = vector.shape_cast %select_n3A_121 : vector<16xi32> to vector<1x16xi32>
      tpu.vector_store %arg12[%swap3A_123, %swap3A_124], %swap3A_127 {strides = array<i32>} : memref<1x80xi32, #tpu.memory_space<vmem>>, vector<1x16xi32>,
      "tpu.region"() ({
        %run_scoped3A_134 = tpu.sem_alloc : memref<!tpu.dma_semaphore, #tpu.memory_space<semaphore_mem>>
        %dma_start3A = arith.constant 0 : i32
        %dma_start3A_135 = tpu.memref_slice %arg10[%scan3A_67, %dma_start3A] : memref<125x80xi32, #tpu.memory_space<vmem>> -> memref<1x80xi32, #tpu.memory_space<vmem>>
        %dma_start3A_136 = tpu.memref_squeeze %dma_start3A_135 : memref<1x80xi32, #tpu.memory_space<vmem>> -> memref<80xi32, #tpu.memory_space<vmem>>
        %dma_start3A_137 = arith.constant 0 : i32
        %dma_start3A_138 = arith.constant 0 : i32
        %dma_start3A_139 = tpu.memref_slice %arg2[%dma_start3A_137, %dma_start3A_138] : memref<10240x128xf32, #tpu.memory_space<hbm>> -> memref<10240x128xf32, #tpu.memory_space<hbm>>
        tpu.enqueue_indirect_dma source(%dma_start3A_139 : memref<10240x128xf32, #tpu.memory_space<hbm>>) target(%arg13 : memref<80x128xf32, #tpu.memory_space<vmem>>) offsets(%dma_start3A_136 : memref<80xi32, #tpu.memory_space<vmem>>) semaphore(%run_scoped3A_134 : memref<!tpu.dma_semaphore, #tpu.memory_space<semaphore_mem>>)
        %dma_wait3A = arith.constant 0 : i32
        %dma_wait3A_140 = tpu.memref_slice %arg10[%scan3A_67, %dma_wait3A] : memref<125x80xi32, #tpu.memory_space<vmem>> -> memref<1x80xi32, #tpu.memory_space<vmem>>
        %dma_wait3A_141 = tpu.memref_squeeze %dma_wait3A_140 : memref<1x80xi32, #tpu.memory_space<vmem>> -> memref<80xi32, #tpu.memory_space<vmem>>
        %dma_wait3A_142 = arith.constant 0 : i32
        %dma_wait3A_143 = arith.constant 0 : i32
        %dma_wait3A_144 = tpu.memref_slice %arg2[%dma_wait3A_142, %dma_wait3A_143] : memref<10240x128xf32, #tpu.memory_space<hbm>> -> memref<10240x128xf32, #tpu.memory_space<hbm>>
        tpu.wait_indirect_dma semaphore(%run_scoped3A_134 : memref<!tpu.dma_semaphore, #tpu.memory_space<semaphore_mem>>) src(%dma_wait3A_144 : memref<10240x128xf32, #tpu.memory_space<hbm>>) dst(%arg13 : memref<80x128xf32, #tpu.memory_space<vmem>>)
        tpu.yield
      }) : () -> ()
      "tpu.region"() ({
        %run_scoped3A_134 = tpu.sem_alloc : memref<!tpu.dma_semaphore, #tpu.memory_space<semaphore_mem>>
        %dma_start3A = arith.constant 0 : i32
        %dma_start3A_135 = tpu.memref_slice %arg11[%scan3A_67, %dma_start3A] : memref<125x80xi32, #tpu.memory_space<vmem>> -> memref<1x80xi32, #tpu.memory_space<vmem>>
        %dma_start3A_136 = tpu.memref_squeeze %dma_start3A_135 : memref<1x80xi32, #tpu.memory_space<vmem>> -> memref<80xi32, #tpu.memory_space<vmem>>
        %dma_start3A_137 = arith.constant 0 : i32
        %dma_start3A_138 = arith.constant 0 : i32
        %dma_start3A_139 = tpu.memref_slice %arg3[%dma_start3A_137, %dma_start3A_138] : memref<10240x128xf32, #tpu.memory_space<hbm>> -> memref<10240x128xf32, #tpu.memory_space<hbm>>
        tpu.enqueue_indirect_dma source(%dma_start3A_139 : memref<10240x128xf32, #tpu.memory_space<hbm>>) target(%arg14 : memref<80x128xf32, #tpu.memory_space<vmem>>) offsets(%dma_start3A_136 : memref<80xi32, #tpu.memory_space<vmem>>) semaphore(%run_scoped3A_134 : memref<!tpu.dma_semaphore, #tpu.memory_space<semaphore_mem>>)
        %dma_wait3A = arith.constant 0 : i32
        %dma_wait3A_140 = tpu.memref_slice %arg11[%scan3A_67, %dma_wait3A] : memref<125x80xi32, #tpu.memory_space<vmem>> -> memref<1x80xi32, #tpu.memory_space<vmem>>
        %dma_wait3A_141 = tpu.memref_squeeze %dma_wait3A_140 : memref<1x80xi32, #tpu.memory_space<vmem>> -> memref<80xi32, #tpu.memory_space<vmem>>
        %dma_wait3A_142 = arith.constant 0 : i32
        %dma_wait3A_143 = arith.constant 0 : i32
        %dma_wait3A_144 = tpu.memref_slice %arg3[%dma_wait3A_142, %dma_wait3A_143] : memref<10240x128xf32, #tpu.memory_space<hbm>> -> memref<10240x128xf32, #tpu.memory_space<hbm>>
        tpu.wait_indirect_dma semaphore(%run_scoped3A_134 : memref<!tpu.dma_semaphore, #tpu.memory_space<semaphore_mem>>) src(%dma_wait3A_144 : memref<10240x128xf32, #tpu.memory_space<hbm>>) dst(%arg14 : memref<80x128xf32, #tpu.memory_space<vmem>>)
        tpu.yield
      }) : () -> ()
      %scan3A_128 = arith.constant 0 : i32
      %scan3A_129 = arith.constant 0 : i32
      %scan3A_130 = arith.constant 80 : i32
      %scan3A_131 = arith.addi %scan3A_129, %scan3A_130 : i32
      %scan3A_132 = arith.constant 1 : i32
      scf.for %scan3A_134 = %scan3A_129 to %scan3A_131 step %scan3A_132  : i32 {
        %get3A_135 = arith.index_cast %scan3A_134 : i32 to index
        %get3A_136 = arith.constant 0 : index
        %get3A_137 = tpu.vector_load %arg13[%get3A_135, %get3A_136] {strides = array<i32>} : memref<80x128xf32, #tpu.memory_space<vmem>>, vector<1x16xf32>,
        %get3A_138 = vector.shape_cast %get3A_137 : vector<1x16xf32> to vector<16xf32>
        %get3A_139 = arith.index_cast %scan3A_134 : i32 to index
        %get3A_140 = arith.constant 0 : index
        %get3A_141 = tpu.vector_load %arg14[%get3A_139, %get3A_140] {strides = array<i32>} : memref<80x128xf32, #tpu.memory_space<vmem>>, vector<1x16xf32>,
        %get3A_142 = vector.shape_cast %get3A_141 : vector<1x16xf32> to vector<16xf32>
        %add3A_143 = arith.addf %get3A_138, %get3A_142 : vector<16xf32>
        %max3A = arith.constant 0.000000e+00 : f32
        %max3A_144 = vector.broadcast %max3A : f32 to vector<16xf32>
        %max3A_145 = arith.maximumf %add3A_143, %max3A_144 : vector<16xf32>
        %swap3A_146 = arith.index_cast %scan3A_134 : i32 to index
        %swap3A_147 = arith.constant 0 : index
        %swap3A_148 = tpu.vector_load %arg13[%swap3A_146, %swap3A_147] {strides = array<i32>} : memref<80x128xf32, #tpu.memory_space<vmem>>, vector<1x16xf32>,
        %swap3A_149 = vector.shape_cast %swap3A_148 : vector<1x16xf32> to vector<16xf32>
        %swap3A_150 = vector.shape_cast %max3A_145 : vector<16xf32> to vector<1x16xf32>
        tpu.vector_store %arg13[%swap3A_146, %swap3A_147], %swap3A_150 {strides = array<i32>} : memref<80x128xf32, #tpu.memory_space<vmem>>, vector<1x16xf32>,
        %get3A_151 = arith.index_cast %scan3A_134 : i32 to index
        %get3A_152 = arith.constant 16 : index
        %get3A_153 = tpu.vector_load %arg13[%get3A_151, %get3A_152] {strides = array<i32>} : memref<80x128xf32, #tpu.memory_space<vmem>>, vector<1x16xf32>,
        %get3A_154 = vector.shape_cast %get3A_153 : vector<1x16xf32> to vector<16xf32>
        %get3A_155 = arith.index_cast %scan3A_134 : i32 to index
        %get3A_156 = arith.constant 16 : index
        %get3A_157 = tpu.vector_load %arg14[%get3A_155, %get3A_156] {strides = array<i32>} : memref<80x128xf32, #tpu.memory_space<vmem>>, vector<1x16xf32>,
        %get3A_158 = vector.shape_cast %get3A_157 : vector<1x16xf32> to vector<16xf32>
        %add3A_159 = arith.addf %get3A_154, %get3A_158 : vector<16xf32>
        %max3A_160 = arith.constant 0.000000e+00 : f32
        %max3A_161 = vector.broadcast %max3A_160 : f32 to vector<16xf32>
        %max3A_162 = arith.maximumf %add3A_159, %max3A_161 : vector<16xf32>
        %swap3A_163 = arith.index_cast %scan3A_134 : i32 to index
        %swap3A_164 = arith.constant 16 : index
        %swap3A_165 = tpu.vector_load %arg13[%swap3A_163, %swap3A_164] {strides = array<i32>} : memref<80x128xf32, #tpu.memory_space<vmem>>, vector<1x16xf32>,
        %swap3A_166 = vector.shape_cast %swap3A_165 : vector<1x16xf32> to vector<16xf32>
        %swap3A_167 = vector.shape_cast %max3A_162 : vector<16xf32> to vector<1x16xf32>
        tpu.vector_store %arg13[%swap3A_163, %swap3A_164], %swap3A_167 {strides = array<i32>} : memref<80x128xf32, #tpu.memory_space<vmem>>, vector<1x16xf32>,
        %get3A_168 = arith.index_cast %scan3A_134 : i32 to index
        %get3A_169 = arith.constant 32 : index
        %get3A_170 = tpu.vector_load %arg13[%get3A_168, %get3A_169] {strides = array<i32>} : memref<80x128xf32, #tpu.memory_space<vmem>>, vector<1x16xf32>,
        %get3A_171 = vector.shape_cast %get3A_170 : vector<1x16xf32> to vector<16xf32>
        %get3A_172 = arith.index_cast %scan3A_134 : i32 to index
        %get3A_173 = arith.constant 32 : index
        %get3A_174 = tpu.vector_load %arg14[%get3A_172, %get3A_173] {strides = array<i32>} : memref<80x128xf32, #tpu.memory_space<vmem>>, vector<1x16xf32>,
        %get3A_175 = vector.shape_cast %get3A_174 : vector<1x16xf32> to vector<16xf32>
        %add3A_176 = arith.addf %get3A_171, %get3A_175 : vector<16xf32>
        %max3A_177 = arith.constant 0.000000e+00 : f32
        %max3A_178 = vector.broadcast %max3A_177 : f32 to vector<16xf32>
        %max3A_179 = arith.maximumf %add3A_176, %max3A_178 : vector<16xf32>
        %swap3A_180 = arith.index_cast %scan3A_134 : i32 to index
        %swap3A_181 = arith.constant 32 : index
        %swap3A_182 = tpu.vector_load %arg13[%swap3A_180, %swap3A_181] {strides = array<i32>} : memref<80x128xf32, #tpu.memory_space<vmem>>, vector<1x16xf32>,
        %swap3A_183 = vector.shape_cast %swap3A_182 : vector<1x16xf32> to vector<16xf32>
        %swap3A_184 = vector.shape_cast %max3A_179 : vector<16xf32> to vector<1x16xf32>
        tpu.vector_store %arg13[%swap3A_180, %swap3A_181], %swap3A_184 {strides = array<i32>} : memref<80x128xf32, #tpu.memory_space<vmem>>, vector<1x16xf32>,
        %get3A_185 = arith.index_cast %scan3A_134 : i32 to index
        %get3A_186 = arith.constant 48 : index
        %get3A_187 = tpu.vector_load %arg13[%get3A_185, %get3A_186] {strides = array<i32>} : memref<80x128xf32, #tpu.memory_space<vmem>>, vector<1x16xf32>,
        %get3A_188 = vector.shape_cast %get3A_187 : vector<1x16xf32> to vector<16xf32>
        %get3A_189 = arith.index_cast %scan3A_134 : i32 to index
        %get3A_190 = arith.constant 48 : index
        %get3A_191 = tpu.vector_load %arg14[%get3A_189, %get3A_190] {strides = array<i32>} : memref<80x128xf32, #tpu.memory_space<vmem>>, vector<1x16xf32>,
        %get3A_192 = vector.shape_cast %get3A_191 : vector<1x16xf32> to vector<16xf32>
        %add3A_193 = arith.addf %get3A_188, %get3A_192 : vector<16xf32>
        %max3A_194 = arith.constant 0.000000e+00 : f32
        %max3A_195 = vector.broadcast %max3A_194 : f32 to vector<16xf32>
        %max3A_196 = arith.maximumf %add3A_193, %max3A_195 : vector<16xf32>
        %swap3A_197 = arith.index_cast %scan3A_134 : i32 to index
        %swap3A_198 = arith.constant 48 : index
        %swap3A_199 = tpu.vector_load %arg13[%swap3A_197, %swap3A_198] {strides = array<i32>} : memref<80x128xf32, #tpu.memory_space<vmem>>, vector<1x16xf32>,
        %swap3A_200 = vector.shape_cast %swap3A_199 : vector<1x16xf32> to vector<16xf32>
        %swap3A_201 = vector.shape_cast %max3A_196 : vector<16xf32> to vector<1x16xf32>
        tpu.vector_store %arg13[%swap3A_197, %swap3A_198], %swap3A_201 {strides = array<i32>} : memref<80x128xf32, #tpu.memory_space<vmem>>, vector<1x16xf32>,
        %get3A_202 = arith.index_cast %scan3A_134 : i32 to index
        %get3A_203 = arith.constant 64 : index
        %get3A_204 = tpu.vector_load %arg13[%get3A_202, %get3A_203] {strides = array<i32>} : memref<80x128xf32, #tpu.memory_space<vmem>>, vector<1x16xf32>,
        %get3A_205 = vector.shape_cast %get3A_204 : vector<1x16xf32> to vector<16xf32>
        %get3A_206 = arith.index_cast %scan3A_134 : i32 to index
        %get3A_207 = arith.constant 64 : index
        %get3A_208 = tpu.vector_load %arg14[%get3A_206, %get3A_207] {strides = array<i32>} : memref<80x128xf32, #tpu.memory_space<vmem>>, vector<1x16xf32>,
        %get3A_209 = vector.shape_cast %get3A_208 : vector<1x16xf32> to vector<16xf32>
        %add3A_210 = arith.addf %get3A_205, %get3A_209 : vector<16xf32>
        %max3A_211 = arith.constant 0.000000e+00 : f32
        %max3A_212 = vector.broadcast %max3A_211 : f32 to vector<16xf32>
        %max3A_213 = arith.maximumf %add3A_210, %max3A_212 : vector<16xf32>
        %swap3A_214 = arith.index_cast %scan3A_134 : i32 to index
        %swap3A_215 = arith.constant 64 : index
        %swap3A_216 = tpu.vector_load %arg13[%swap3A_214, %swap3A_215] {strides = array<i32>} : memref<80x128xf32, #tpu.memory_space<vmem>>, vector<1x16xf32>,
        %swap3A_217 = vector.shape_cast %swap3A_216 : vector<1x16xf32> to vector<16xf32>
        %swap3A_218 = vector.shape_cast %max3A_213 : vector<16xf32> to vector<1x16xf32>
        tpu.vector_store %arg13[%swap3A_214, %swap3A_215], %swap3A_218 {strides = array<i32>} : memref<80x128xf32, #tpu.memory_space<vmem>>, vector<1x16xf32>,
        %get3A_219 = arith.index_cast %scan3A_134 : i32 to index
        %get3A_220 = arith.constant 80 : index
        %get3A_221 = tpu.vector_load %arg13[%get3A_219, %get3A_220] {strides = array<i32>} : memref<80x128xf32, #tpu.memory_space<vmem>>, vector<1x16xf32>,
        %get3A_222 = vector.shape_cast %get3A_221 : vector<1x16xf32> to vector<16xf32>
        %get3A_223 = arith.index_cast %scan3A_134 : i32 to index
        %get3A_224 = arith.constant 80 : index
        %get3A_225 = tpu.vector_load %arg14[%get3A_223, %get3A_224] {strides = array<i32>} : memref<80x128xf32, #tpu.memory_space<vmem>>, vector<1x16xf32>,
        %get3A_226 = vector.shape_cast %get3A_225 : vector<1x16xf32> to vector<16xf32>
        %add3A_227 = arith.addf %get3A_222, %get3A_226 : vector<16xf32>
        %max3A_228 = arith.constant 0.000000e+00 : f32
        %max3A_229 = vector.broadcast %max3A_228 : f32 to vector<16xf32>
        %max3A_230 = arith.maximumf %add3A_227, %max3A_229 : vector<16xf32>
        %swap3A_231 = arith.index_cast %scan3A_134 : i32 to index
        %swap3A_232 = arith.constant 80 : index
        %swap3A_233 = tpu.vector_load %arg13[%swap3A_231, %swap3A_232] {strides = array<i32>} : memref<80x128xf32, #tpu.memory_space<vmem>>, vector<1x16xf32>,
        %swap3A_234 = vector.shape_cast %swap3A_233 : vector<1x16xf32> to vector<16xf32>
        %swap3A_235 = vector.shape_cast %max3A_230 : vector<16xf32> to vector<1x16xf32>
        tpu.vector_store %arg13[%swap3A_231, %swap3A_232], %swap3A_235 {strides = array<i32>} : memref<80x128xf32, #tpu.memory_space<vmem>>, vector<1x16xf32>,
        %get3A_236 = arith.index_cast %scan3A_134 : i32 to index
        %get3A_237 = arith.constant 96 : index
        %get3A_238 = tpu.vector_load %arg13[%get3A_236, %get3A_237] {strides = array<i32>} : memref<80x128xf32, #tpu.memory_space<vmem>>, vector<1x16xf32>,
        %get3A_239 = vector.shape_cast %get3A_238 : vector<1x16xf32> to vector<16xf32>
        %get3A_240 = arith.index_cast %scan3A_134 : i32 to index
        %get3A_241 = arith.constant 96 : index
        %get3A_242 = tpu.vector_load %arg14[%get3A_240, %get3A_241] {strides = array<i32>} : memref<80x128xf32, #tpu.memory_space<vmem>>, vector<1x16xf32>,
        %get3A_243 = vector.shape_cast %get3A_242 : vector<1x16xf32> to vector<16xf32>
        %add3A_244 = arith.addf %get3A_239, %get3A_243 : vector<16xf32>
        %max3A_245 = arith.constant 0.000000e+00 : f32
        %max3A_246 = vector.broadcast %max3A_245 : f32 to vector<16xf32>
        %max3A_247 = arith.maximumf %add3A_244, %max3A_246 : vector<16xf32>
        %swap3A_248 = arith.index_cast %scan3A_134 : i32 to index
        %swap3A_249 = arith.constant 96 : index
        %swap3A_250 = tpu.vector_load %arg13[%swap3A_248, %swap3A_249] {strides = array<i32>} : memref<80x128xf32, #tpu.memory_space<vmem>>, vector<1x16xf32>,
        %swap3A_251 = vector.shape_cast %swap3A_250 : vector<1x16xf32> to vector<16xf32>
        %swap3A_252 = vector.shape_cast %max3A_247 : vector<16xf32> to vector<1x16xf32>
        tpu.vector_store %arg13[%swap3A_248, %swap3A_249], %swap3A_252 {strides = array<i32>} : memref<80x128xf32, #tpu.memory_space<vmem>>, vector<1x16xf32>,
        %get3A_253 = arith.index_cast %scan3A_134 : i32 to index
        %get3A_254 = arith.constant 112 : index
        %get3A_255 = tpu.vector_load %arg13[%get3A_253, %get3A_254] {strides = array<i32>} : memref<80x128xf32, #tpu.memory_space<vmem>>, vector<1x16xf32>,
        %get3A_256 = vector.shape_cast %get3A_255 : vector<1x16xf32> to vector<16xf32>
        %get3A_257 = arith.index_cast %scan3A_134 : i32 to index
        %get3A_258 = arith.constant 112 : index
        %get3A_259 = tpu.vector_load %arg14[%get3A_257, %get3A_258] {strides = array<i32>} : memref<80x128xf32, #tpu.memory_space<vmem>>, vector<1x16xf32>,
        %get3A_260 = vector.shape_cast %get3A_259 : vector<1x16xf32> to vector<16xf32>
        %add3A_261 = arith.addf %get3A_256, %get3A_260 : vector<16xf32>
        %max3A_262 = arith.constant 0.000000e+00 : f32
        %max3A_263 = vector.broadcast %max3A_262 : f32 to vector<16xf32>
        %max3A_264 = arith.maximumf %add3A_261, %max3A_263 : vector<16xf32>
        %swap3A_265 = arith.index_cast %scan3A_134 : i32 to index
        %swap3A_266 = arith.constant 112 : index
        %swap3A_267 = tpu.vector_load %arg13[%swap3A_265, %swap3A_266] {strides = array<i32>} : memref<80x128xf32, #tpu.memory_space<vmem>>, vector<1x16xf32>,
        %swap3A_268 = vector.shape_cast %swap3A_267 : vector<1x16xf32> to vector<16xf32>
        %swap3A_269 = vector.shape_cast %max3A_264 : vector<16xf32> to vector<1x16xf32>
        tpu.vector_store %arg13[%swap3A_265, %swap3A_266], %swap3A_269 {strides = array<i32>} : memref<80x128xf32, #tpu.memory_space<vmem>>, vector<1x16xf32>,
      }
      %scan3A_133 = arith.constant 80 : i32
      %run_scoped3A = arith.constant 0 : i32
      "tpu.region"() ({
        %run_scoped3A_134 = tpu.sem_alloc : memref<!tpu.dma_semaphore, #tpu.memory_space<semaphore_mem>>
        %dma_start3A = arith.constant 0 : i32
        %dma_start3A_135 = tpu.memref_slice %arg12[%run_scoped3A, %dma_start3A] : memref<1x80xi32, #tpu.memory_space<vmem>> -> memref<1x80xi32, #tpu.memory_space<vmem>>
        %dma_start3A_136 = tpu.memref_squeeze %dma_start3A_135 : memref<1x80xi32, #tpu.memory_space<vmem>> -> memref<80xi32, #tpu.memory_space<vmem>>
        %dma_start3A_137 = arith.constant 0 : i32
        %dma_start3A_138 = arith.constant 0 : i32
        %dma_start3A_139 = tpu.memref_slice %arg16[%dma_start3A_137, %dma_start3A_138] : memref<5248x128xf32, #tpu.memory_space<vmem_shared>> -> memref<5248x128xf32, #tpu.memory_space<vmem_shared>>
        tpu.enqueue_indirect_dma source(%arg13 : memref<80x128xf32, #tpu.memory_space<vmem>>) target(%dma_start3A_139 : memref<5248x128xf32, #tpu.memory_space<vmem_shared>>) offsets(%dma_start3A_136 : memref<80xi32, #tpu.memory_space<vmem>>) semaphore(%run_scoped3A_134 : memref<!tpu.dma_semaphore, #tpu.memory_space<semaphore_mem>>) {add = true}
        %dma_wait3A = arith.constant 0 : i32
        %dma_wait3A_140 = tpu.memref_slice %arg12[%run_scoped3A, %dma_wait3A] : memref<1x80xi32, #tpu.memory_space<vmem>> -> memref<1x80xi32, #tpu.memory_space<vmem>>
        %dma_wait3A_141 = tpu.memref_squeeze %dma_wait3A_140 : memref<1x80xi32, #tpu.memory_space<vmem>> -> memref<80xi32, #tpu.memory_space<vmem>>
        %dma_wait3A_142 = arith.constant 0 : i32
        %dma_wait3A_143 = arith.constant 0 : i32
        %dma_wait3A_144 = tpu.memref_slice %arg16[%dma_wait3A_142, %dma_wait3A_143] : memref<5248x128xf32, #tpu.memory_space<vmem_shared>> -> memref<5248x128xf32, #tpu.memory_space<vmem_shared>>
        tpu.wait_indirect_dma semaphore(%run_scoped3A_134 : memref<!tpu.dma_semaphore, #tpu.memory_space<semaphore_mem>>) src(%arg13 : memref<80x128xf32, #tpu.memory_space<vmem>>) dst(%dma_wait3A_144 : memref<5248x128xf32, #tpu.memory_space<vmem_shared>>)
        tpu.yield
      }) : () -> ()
    }
    %scan3A_24 = arith.constant 125 : i32
    %barrier3A_25 = arith.constant 0 : index
    tpu.barrier barrier_id(%barrier3A_25)
    %mul3A_26 = arith.constant 320 : i32
    %mul3A_27 = arith.muli %arg1, %mul3A_26 : i32
    %mul3A_28 = arith.constant 320 : i32
    %mul3A_29 = arith.muli %arg1, %mul3A_28 : i32
    %add3A_30 = arith.constant 5120 : i32
    %add3A_31 = arith.addi %add3A_30, %mul3A_29 : i32
    "tpu.region"() ({
      %run_scoped3A = tpu.sem_alloc : memref<!tpu.dma_semaphore, #tpu.memory_space<semaphore_mem>>
      %dma_start3A = arith.constant 0 : i32
      %dma_start3A_67 = tpu.memref_slice %arg8[%arg0, %add3A_31, %dma_start3A] : memref<2x10240x128xf32, #tpu.memory_space<hbm>> -> memref<1x320x128xf32, #tpu.memory_space<hbm>>
      %dma_start3A_68 = tpu.memref_squeeze %dma_start3A_67 : memref<1x320x128xf32, #tpu.memory_space<hbm>> -> memref<320x128xf32, #tpu.memory_space<hbm>>
      %dma_start3A_69 = arith.constant 0 : i32
      %dma_start3A_70 = tpu.memref_slice %arg16[%mul3A_27, %dma_start3A_69] : memref<5248x128xf32, #tpu.memory_space<vmem_shared>> -> memref<320x128xf32, #tpu.memory_space<vmem_shared>>
      tpu.enqueue_dma source(%dma_start3A_70 : memref<320x128xf32, #tpu.memory_space<vmem_shared>>) target(%dma_start3A_68 : memref<320x128xf32, #tpu.memory_space<hbm>>) target_semaphore(%run_scoped3A : memref<!tpu.dma_semaphore, #tpu.memory_space<semaphore_mem>>)
      %dma_wait3A = arith.constant 0 : i32
      %dma_wait3A_71 = tpu.memref_slice %arg8[%arg0, %add3A_31, %dma_wait3A] : memref<2x10240x128xf32, #tpu.memory_space<hbm>> -> memref<1x320x128xf32, #tpu.memory_space<hbm>>
      %dma_wait3A_72 = tpu.memref_squeeze %dma_wait3A_71 : memref<1x320x128xf32, #tpu.memory_space<hbm>> -> memref<320x128xf32, #tpu.memory_space<hbm>>
      %dma_wait3A_73 = arith.constant 0 : i32
      %dma_wait3A_74 = tpu.memref_slice %arg16[%mul3A_27, %dma_wait3A_73] : memref<5248x128xf32, #tpu.memory_space<vmem_shared>> -> memref<320x128xf32, #tpu.memory_space<vmem_shared>>
      tpu.wait_dma2 semaphore(%run_scoped3A : memref<!tpu.dma_semaphore, #tpu.memory_space<semaphore_mem>>) src(%dma_wait3A_74 : memref<320x128xf32, #tpu.memory_space<vmem_shared>>) dst(%dma_wait3A_72 : memref<320x128xf32, #tpu.memory_space<hbm>>)
      tpu.yield
    }) : () -> ()
    %barrier3A_32 = arith.constant 0 : index
    tpu.barrier barrier_id(%barrier3A_32)
    %mul3A_33 = arith.constant 328 : i32
    %mul3A_34 = arith.muli %arg1, %mul3A_33 : i32
    "tpu.region"() ({
      %run_scoped3A = tpu.sem_alloc : memref<!tpu.dma_semaphore, #tpu.memory_space<semaphore_mem>>
      %dma_start3A = arith.constant 0 : i32
      %dma_start3A_67 = tpu.memref_slice %arg16[%mul3A_34, %dma_start3A] : memref<5248x128xf32, #tpu.memory_space<vmem_shared>> -> memref<328x128xf32, #tpu.memory_space<vmem_shared>>
      tpu.enqueue_dma source(%arg6 : memref<328x128xf32, #tpu.memory_space<hbm>>) target(%dma_start3A_67 : memref<328x128xf32, #tpu.memory_space<vmem_shared>>) target_semaphore(%run_scoped3A : memref<!tpu.dma_semaphore, #tpu.memory_space<semaphore_mem>>)
      %dma_wait3A = arith.constant 0 : i32
      %dma_wait3A_68 = tpu.memref_slice %arg16[%mul3A_34, %dma_wait3A] : memref<5248x128xf32, #tpu.memory_space<vmem_shared>> -> memref<328x128xf32, #tpu.memory_space<vmem_shared>>
      tpu.wait_dma2 semaphore(%run_scoped3A : memref<!tpu.dma_semaphore, #tpu.memory_space<semaphore_mem>>) src(%arg6 : memref<328x128xf32, #tpu.memory_space<hbm>>) dst(%dma_wait3A_68 : memref<328x128xf32, #tpu.memory_space<vmem_shared>>)
      tpu.yield
    }) : () -> ()
    %barrier3A_35 = arith.constant 0 : index
    tpu.barrier barrier_id(%barrier3A_35)
    %scan3A_36 = arith.constant 0 : i32
    %scan3A_37 = arith.constant 0 : i32
    %scan3A_38 = arith.constant 125 : i32
    %scan3A_39 = arith.addi %scan3A_37, %scan3A_38 : i32
    %scan3A_40 = arith.constant 1 : i32
    scf.for %scan3A_67 = %scan3A_37 to %scan3A_39 step %scan3A_40  : i32 {
      %get3A = arith.index_cast %scan3A_67 : i32 to index
      %get3A_68 = arith.constant 0 : index
      %get3A_69 = tpu.vector_load %arg11[%get3A, %get3A_68] {strides = array<i32>} : memref<125x80xi32, #tpu.memory_space<vmem>>, vector<1x16xi32>,
      %get3A_70 = vector.shape_cast %get3A_69 : vector<1x16xi32> to vector<16xi32>
      %min3A = arith.minsi %get3A_70, %broadcast_in_dim3A_0 : vector<16xi32>
      %swap3A = arith.constant 0 : i32
      %swap3A_71 = arith.index_cast %swap3A : i32 to index
      %swap3A_72 = arith.constant 0 : index
      %swap3A_73 = tpu.vector_load %arg12[%swap3A_71, %swap3A_72] {strides = array<i32>} : memref<1x80xi32, #tpu.memory_space<vmem>>, vector<1x16xi32>,
      %swap3A_74 = vector.shape_cast %swap3A_73 : vector<1x16xi32> to vector<16xi32>
      %swap3A_75 = vector.shape_cast %min3A : vector<16xi32> to vector<1x16xi32>
      tpu.vector_store %arg12[%swap3A_71, %swap3A_72], %swap3A_75 {strides = array<i32>} : memref<1x80xi32, #tpu.memory_space<vmem>>, vector<1x16xi32>,
      %get3A_76 = arith.index_cast %scan3A_67 : i32 to index
      %get3A_77 = arith.constant 16 : index
      %get3A_78 = tpu.vector_load %arg11[%get3A_76, %get3A_77] {strides = array<i32>} : memref<125x80xi32, #tpu.memory_space<vmem>>, vector<1x16xi32>,
      %get3A_79 = vector.shape_cast %get3A_78 : vector<1x16xi32> to vector<16xi32>
      %min3A_80 = arith.minsi %get3A_79, %broadcast_in_dim3A_0 : vector<16xi32>
      %swap3A_81 = arith.constant 0 : i32
      %swap3A_82 = arith.index_cast %swap3A_81 : i32 to index
      %swap3A_83 = arith.constant 16 : index
      %swap3A_84 = tpu.vector_load %arg12[%swap3A_82, %swap3A_83] {strides = array<i32>} : memref<1x80xi32, #tpu.memory_space<vmem>>, vector<1x16xi32>,
      %swap3A_85 = vector.shape_cast %swap3A_84 : vector<1x16xi32> to vector<16xi32>
      %swap3A_86 = vector.shape_cast %min3A_80 : vector<16xi32> to vector<1x16xi32>
      tpu.vector_store %arg12[%swap3A_82, %swap3A_83], %swap3A_86 {strides = array<i32>} : memref<1x80xi32, #tpu.memory_space<vmem>>, vector<1x16xi32>,
      %get3A_87 = arith.index_cast %scan3A_67 : i32 to index
      %get3A_88 = arith.constant 32 : index
      %get3A_89 = tpu.vector_load %arg11[%get3A_87, %get3A_88] {strides = array<i32>} : memref<125x80xi32, #tpu.memory_space<vmem>>, vector<1x16xi32>,
      %get3A_90 = vector.shape_cast %get3A_89 : vector<1x16xi32> to vector<16xi32>
      %min3A_91 = arith.minsi %get3A_90, %broadcast_in_dim3A_0 : vector<16xi32>
      %swap3A_92 = arith.constant 0 : i32
      %swap3A_93 = arith.index_cast %swap3A_92 : i32 to index
      %swap3A_94 = arith.constant 32 : index
      %swap3A_95 = tpu.vector_load %arg12[%swap3A_93, %swap3A_94] {strides = array<i32>} : memref<1x80xi32, #tpu.memory_space<vmem>>, vector<1x16xi32>,
      %swap3A_96 = vector.shape_cast %swap3A_95 : vector<1x16xi32> to vector<16xi32>
      %swap3A_97 = vector.shape_cast %min3A_91 : vector<16xi32> to vector<1x16xi32>
      tpu.vector_store %arg12[%swap3A_93, %swap3A_94], %swap3A_97 {strides = array<i32>} : memref<1x80xi32, #tpu.memory_space<vmem>>, vector<1x16xi32>,
      %get3A_98 = arith.index_cast %scan3A_67 : i32 to index
      %get3A_99 = arith.constant 48 : index
      %get3A_100 = tpu.vector_load %arg11[%get3A_98, %get3A_99] {strides = array<i32>} : memref<125x80xi32, #tpu.memory_space<vmem>>, vector<1x16xi32>,
      %get3A_101 = vector.shape_cast %get3A_100 : vector<1x16xi32> to vector<16xi32>
      %min3A_102 = arith.minsi %get3A_101, %broadcast_in_dim3A_0 : vector<16xi32>
      %swap3A_103 = arith.constant 0 : i32
      %swap3A_104 = arith.index_cast %swap3A_103 : i32 to index
      %swap3A_105 = arith.constant 48 : index
      %swap3A_106 = tpu.vector_load %arg12[%swap3A_104, %swap3A_105] {strides = array<i32>} : memref<1x80xi32, #tpu.memory_space<vmem>>, vector<1x16xi32>,
      %swap3A_107 = vector.shape_cast %swap3A_106 : vector<1x16xi32> to vector<16xi32>
      %swap3A_108 = vector.shape_cast %min3A_102 : vector<16xi32> to vector<1x16xi32>
      tpu.vector_store %arg12[%swap3A_104, %swap3A_105], %swap3A_108 {strides = array<i32>} : memref<1x80xi32, #tpu.memory_space<vmem>>, vector<1x16xi32>,
      %get3A_109 = arith.index_cast %scan3A_67 : i32 to index
      %get3A_110 = arith.constant 64 : index
      %get3A_111 = tpu.vector_load %arg11[%get3A_109, %get3A_110] {strides = array<i32>} : memref<125x80xi32, #tpu.memory_space<vmem>>, vector<1x16xi32>,
      %get3A_112 = vector.shape_cast %get3A_111 : vector<1x16xi32> to vector<16xi32>
      %min3A_113 = arith.minsi %get3A_112, %broadcast_in_dim3A_0 : vector<16xi32>
      %swap3A_114 = arith.constant 0 : i32
      %swap3A_115 = arith.index_cast %swap3A_114 : i32 to index
      %swap3A_116 = arith.constant 64 : index
      %swap3A_117 = tpu.vector_load %arg12[%swap3A_115, %swap3A_116] {strides = array<i32>} : memref<1x80xi32, #tpu.memory_space<vmem>>, vector<1x16xi32>,
      %swap3A_118 = vector.shape_cast %swap3A_117 : vector<1x16xi32> to vector<16xi32>
      %swap3A_119 = vector.shape_cast %min3A_113 : vector<16xi32> to vector<1x16xi32>
      tpu.vector_store %arg12[%swap3A_115, %swap3A_116], %swap3A_119 {strides = array<i32>} : memref<1x80xi32, #tpu.memory_space<vmem>>, vector<1x16xi32>,
      %run_scoped3A = arith.constant 0 : i32
      "tpu.region"() ({
        %run_scoped3A_120 = tpu.sem_alloc : memref<!tpu.dma_semaphore, #tpu.memory_space<semaphore_mem>>
        %dma_start3A = arith.constant 0 : i32
        %dma_start3A_121 = tpu.memref_slice %arg12[%run_scoped3A, %dma_start3A] : memref<1x80xi32, #tpu.memory_space<vmem>> -> memref<1x80xi32, #tpu.memory_space<vmem>>
        %dma_start3A_122 = tpu.memref_squeeze %dma_start3A_121 : memref<1x80xi32, #tpu.memory_space<vmem>> -> memref<80xi32, #tpu.memory_space<vmem>>
        %dma_start3A_123 = arith.constant 0 : i32
        %dma_start3A_124 = arith.constant 0 : i32
        %dma_start3A_125 = tpu.memref_slice %arg16[%dma_start3A_123, %dma_start3A_124] : memref<5248x128xf32, #tpu.memory_space<vmem_shared>> -> memref<5248x128xf32, #tpu.memory_space<vmem_shared>>
        tpu.enqueue_indirect_dma source(%arg15 : memref<80x128xf32, #tpu.memory_space<vmem>>) target(%dma_start3A_125 : memref<5248x128xf32, #tpu.memory_space<vmem_shared>>) offsets(%dma_start3A_122 : memref<80xi32, #tpu.memory_space<vmem>>) semaphore(%run_scoped3A_120 : memref<!tpu.dma_semaphore, #tpu.memory_space<semaphore_mem>>) {add = true}
        %dma_wait3A = arith.constant 0 : i32
        %dma_wait3A_126 = tpu.memref_slice %arg12[%run_scoped3A, %dma_wait3A] : memref<1x80xi32, #tpu.memory_space<vmem>> -> memref<1x80xi32, #tpu.memory_space<vmem>>
        %dma_wait3A_127 = tpu.memref_squeeze %dma_wait3A_126 : memref<1x80xi32, #tpu.memory_space<vmem>> -> memref<80xi32, #tpu.memory_space<vmem>>
        %dma_wait3A_128 = arith.constant 0 : i32
        %dma_wait3A_129 = arith.constant 0 : i32
        %dma_wait3A_130 = tpu.memref_slice %arg16[%dma_wait3A_128, %dma_wait3A_129] : memref<5248x128xf32, #tpu.memory_space<vmem_shared>> -> memref<5248x128xf32, #tpu.memory_space<vmem_shared>>
        tpu.wait_indirect_dma semaphore(%run_scoped3A_120 : memref<!tpu.dma_semaphore, #tpu.memory_space<semaphore_mem>>) src(%arg15 : memref<80x128xf32, #tpu.memory_space<vmem>>) dst(%dma_wait3A_130 : memref<5248x128xf32, #tpu.memory_space<vmem_shared>>)
        tpu.yield
      }) : () -> ()
    }
    %scan3A_41 = arith.constant 125 : i32
    %barrier3A_42 = arith.constant 0 : index
    tpu.barrier barrier_id(%barrier3A_42)
    %mul3A_43 = arith.constant 320 : i32
    %mul3A_44 = arith.muli %arg1, %mul3A_43 : i32
    %mul3A_45 = arith.constant 320 : i32
    %mul3A_46 = arith.muli %arg1, %mul3A_45 : i32
    %add3A_47 = arith.constant 0 : i32
    %add3A_48 = arith.addi %add3A_47, %mul3A_46 : i32
    "tpu.region"() ({
      %run_scoped3A = tpu.sem_alloc : memref<!tpu.dma_semaphore, #tpu.memory_space<semaphore_mem>>
      %dma_start3A = arith.constant 0 : i32
      %dma_start3A_67 = tpu.memref_slice %arg9[%arg0, %add3A_48, %dma_start3A] : memref<2x10240x128xf32, #tpu.memory_space<hbm>> -> memref<1x320x128xf32, #tpu.memory_space<hbm>>
      %dma_start3A_68 = tpu.memref_squeeze %dma_start3A_67 : memref<1x320x128xf32, #tpu.memory_space<hbm>> -> memref<320x128xf32, #tpu.memory_space<hbm>>
      %dma_start3A_69 = arith.constant 0 : i32
      %dma_start3A_70 = tpu.memref_slice %arg16[%mul3A_44, %dma_start3A_69] : memref<5248x128xf32, #tpu.memory_space<vmem_shared>> -> memref<320x128xf32, #tpu.memory_space<vmem_shared>>
      tpu.enqueue_dma source(%dma_start3A_70 : memref<320x128xf32, #tpu.memory_space<vmem_shared>>) target(%dma_start3A_68 : memref<320x128xf32, #tpu.memory_space<hbm>>) target_semaphore(%run_scoped3A : memref<!tpu.dma_semaphore, #tpu.memory_space<semaphore_mem>>)
      %dma_wait3A = arith.constant 0 : i32
      %dma_wait3A_71 = tpu.memref_slice %arg9[%arg0, %add3A_48, %dma_wait3A] : memref<2x10240x128xf32, #tpu.memory_space<hbm>> -> memref<1x320x128xf32, #tpu.memory_space<hbm>>
      %dma_wait3A_72 = tpu.memref_squeeze %dma_wait3A_71 : memref<1x320x128xf32, #tpu.memory_space<hbm>> -> memref<320x128xf32, #tpu.memory_space<hbm>>
      %dma_wait3A_73 = arith.constant 0 : i32
      %dma_wait3A_74 = tpu.memref_slice %arg16[%mul3A_44, %dma_wait3A_73] : memref<5248x128xf32, #tpu.memory_space<vmem_shared>> -> memref<320x128xf32, #tpu.memory_space<vmem_shared>>
      tpu.wait_dma2 semaphore(%run_scoped3A : memref<!tpu.dma_semaphore, #tpu.memory_space<semaphore_mem>>) src(%dma_wait3A_74 : memref<320x128xf32, #tpu.memory_space<vmem_shared>>) dst(%dma_wait3A_72 : memref<320x128xf32, #tpu.memory_space<hbm>>)
      tpu.yield
    }) : () -> ()
    %barrier3A_49 = arith.constant 0 : index
    tpu.barrier barrier_id(%barrier3A_49)
    %mul3A_50 = arith.constant 328 : i32
    %mul3A_51 = arith.muli %arg1, %mul3A_50 : i32
    "tpu.region"() ({
      %run_scoped3A = tpu.sem_alloc : memref<!tpu.dma_semaphore, #tpu.memory_space<semaphore_mem>>
      %dma_start3A = arith.constant 0 : i32
      %dma_start3A_67 = tpu.memref_slice %arg16[%mul3A_51, %dma_start3A] : memref<5248x128xf32, #tpu.memory_space<vmem_shared>> -> memref<328x128xf32, #tpu.memory_space<vmem_shared>>
      tpu.enqueue_dma source(%arg6 : memref<328x128xf32, #tpu.memory_space<hbm>>) target(%dma_start3A_67 : memref<328x128xf32, #tpu.memory_space<vmem_shared>>) target_semaphore(%run_scoped3A : memref<!tpu.dma_semaphore, #tpu.memory_space<semaphore_mem>>)
      %dma_wait3A = arith.constant 0 : i32
      %dma_wait3A_68 = tpu.memref_slice %arg16[%mul3A_51, %dma_wait3A] : memref<5248x128xf32, #tpu.memory_space<vmem_shared>> -> memref<328x128xf32, #tpu.memory_space<vmem_shared>>
      tpu.wait_dma2 semaphore(%run_scoped3A : memref<!tpu.dma_semaphore, #tpu.memory_space<semaphore_mem>>) src(%arg6 : memref<328x128xf32, #tpu.memory_space<hbm>>) dst(%dma_wait3A_68 : memref<328x128xf32, #tpu.memory_space<vmem_shared>>)
      tpu.yield
    }) : () -> ()
    %barrier3A_52 = arith.constant 0 : index
    tpu.barrier barrier_id(%barrier3A_52)
    %scan3A_53 = arith.constant 0 : i32
    %scan3A_54 = arith.constant 0 : i32
    %scan3A_55 = arith.constant 125 : i32
    %scan3A_56 = arith.addi %scan3A_54, %scan3A_55 : i32
    %scan3A_57 = arith.constant 1 : i32
    scf.for %scan3A_67 = %scan3A_54 to %scan3A_56 step %scan3A_57  : i32 {
      %get3A = arith.index_cast %scan3A_67 : i32 to index
      %get3A_68 = arith.constant 0 : index
      %get3A_69 = tpu.vector_load %arg11[%get3A, %get3A_68] {strides = array<i32>} : memref<125x80xi32, #tpu.memory_space<vmem>>, vector<1x16xi32>,
      %get3A_70 = vector.shape_cast %get3A_69 : vector<1x16xi32> to vector<16xi32>
      %ge3A = arith.cmpi sge, %get3A_70, %broadcast_in_dim3A_2 : vector<16xi32>
      %sub3A = arith.subi %get3A_70, %broadcast_in_dim3A_2 : vector<16xi32>
      %select_n3A = arith.select %ge3A, %sub3A, %broadcast_in_dim3A_0 : vector<16xi1>, vector<16xi32>
      %swap3A = arith.constant 0 : i32
      %swap3A_71 = arith.index_cast %swap3A : i32 to index
      %swap3A_72 = arith.constant 0 : index
      %swap3A_73 = tpu.vector_load %arg12[%swap3A_71, %swap3A_72] {strides = array<i32>} : memref<1x80xi32, #tpu.memory_space<vmem>>, vector<1x16xi32>,
      %swap3A_74 = vector.shape_cast %swap3A_73 : vector<1x16xi32> to vector<16xi32>
      %swap3A_75 = vector.shape_cast %select_n3A : vector<16xi32> to vector<1x16xi32>
      tpu.vector_store %arg12[%swap3A_71, %swap3A_72], %swap3A_75 {strides = array<i32>} : memref<1x80xi32, #tpu.memory_space<vmem>>, vector<1x16xi32>,
      %get3A_76 = arith.index_cast %scan3A_67 : i32 to index
      %get3A_77 = arith.constant 16 : index
      %get3A_78 = tpu.vector_load %arg11[%get3A_76, %get3A_77] {strides = array<i32>} : memref<125x80xi32, #tpu.memory_space<vmem>>, vector<1x16xi32>,
      %get3A_79 = vector.shape_cast %get3A_78 : vector<1x16xi32> to vector<16xi32>
      %ge3A_80 = arith.cmpi sge, %get3A_79, %broadcast_in_dim3A_2 : vector<16xi32>
      %sub3A_81 = arith.subi %get3A_79, %broadcast_in_dim3A_2 : vector<16xi32>
      %select_n3A_82 = arith.select %ge3A_80, %sub3A_81, %broadcast_in_dim3A_0 : vector<16xi1>, vector<16xi32>
      %swap3A_83 = arith.constant 0 : i32
      %swap3A_84 = arith.index_cast %swap3A_83 : i32 to index
      %swap3A_85 = arith.constant 16 : index
      %swap3A_86 = tpu.vector_load %arg12[%swap3A_84, %swap3A_85] {strides = array<i32>} : memref<1x80xi32, #tpu.memory_space<vmem>>, vector<1x16xi32>,
      %swap3A_87 = vector.shape_cast %swap3A_86 : vector<1x16xi32> to vector<16xi32>
      %swap3A_88 = vector.shape_cast %select_n3A_82 : vector<16xi32> to vector<1x16xi32>
      tpu.vector_store %arg12[%swap3A_84, %swap3A_85], %swap3A_88 {strides = array<i32>} : memref<1x80xi32, #tpu.memory_space<vmem>>, vector<1x16xi32>,
      %get3A_89 = arith.index_cast %scan3A_67 : i32 to index
      %get3A_90 = arith.constant 32 : index
      %get3A_91 = tpu.vector_load %arg11[%get3A_89, %get3A_90] {strides = array<i32>} : memref<125x80xi32, #tpu.memory_space<vmem>>, vector<1x16xi32>,
      %get3A_92 = vector.shape_cast %get3A_91 : vector<1x16xi32> to vector<16xi32>
      %ge3A_93 = arith.cmpi sge, %get3A_92, %broadcast_in_dim3A_2 : vector<16xi32>
      %sub3A_94 = arith.subi %get3A_92, %broadcast_in_dim3A_2 : vector<16xi32>
      %select_n3A_95 = arith.select %ge3A_93, %sub3A_94, %broadcast_in_dim3A_0 : vector<16xi1>, vector<16xi32>
      %swap3A_96 = arith.constant 0 : i32
      %swap3A_97 = arith.index_cast %swap3A_96 : i32 to index
      %swap3A_98 = arith.constant 32 : index
      %swap3A_99 = tpu.vector_load %arg12[%swap3A_97, %swap3A_98] {strides = array<i32>} : memref<1x80xi32, #tpu.memory_space<vmem>>, vector<1x16xi32>,
      %swap3A_100 = vector.shape_cast %swap3A_99 : vector<1x16xi32> to vector<16xi32>
      %swap3A_101 = vector.shape_cast %select_n3A_95 : vector<16xi32> to vector<1x16xi32>
      tpu.vector_store %arg12[%swap3A_97, %swap3A_98], %swap3A_101 {strides = array<i32>} : memref<1x80xi32, #tpu.memory_space<vmem>>, vector<1x16xi32>,
      %get3A_102 = arith.index_cast %scan3A_67 : i32 to index
      %get3A_103 = arith.constant 48 : index
      %get3A_104 = tpu.vector_load %arg11[%get3A_102, %get3A_103] {strides = array<i32>} : memref<125x80xi32, #tpu.memory_space<vmem>>, vector<1x16xi32>,
      %get3A_105 = vector.shape_cast %get3A_104 : vector<1x16xi32> to vector<16xi32>
      %ge3A_106 = arith.cmpi sge, %get3A_105, %broadcast_in_dim3A_2 : vector<16xi32>
      %sub3A_107 = arith.subi %get3A_105, %broadcast_in_dim3A_2 : vector<16xi32>
      %select_n3A_108 = arith.select %ge3A_106, %sub3A_107, %broadcast_in_dim3A_0 : vector<16xi1>, vector<16xi32>
      %swap3A_109 = arith.constant 0 : i32
      %swap3A_110 = arith.index_cast %swap3A_109 : i32 to index
      %swap3A_111 = arith.constant 48 : index
      %swap3A_112 = tpu.vector_load %arg12[%swap3A_110, %swap3A_111] {strides = array<i32>} : memref<1x80xi32, #tpu.memory_space<vmem>>, vector<1x16xi32>,
      %swap3A_113 = vector.shape_cast %swap3A_112 : vector<1x16xi32> to vector<16xi32>
      %swap3A_114 = vector.shape_cast %select_n3A_108 : vector<16xi32> to vector<1x16xi32>
      tpu.vector_store %arg12[%swap3A_110, %swap3A_111], %swap3A_114 {strides = array<i32>} : memref<1x80xi32, #tpu.memory_space<vmem>>, vector<1x16xi32>,
      %get3A_115 = arith.index_cast %scan3A_67 : i32 to index
      %get3A_116 = arith.constant 64 : index
      %get3A_117 = tpu.vector_load %arg11[%get3A_115, %get3A_116] {strides = array<i32>} : memref<125x80xi32, #tpu.memory_space<vmem>>, vector<1x16xi32>,
      %get3A_118 = vector.shape_cast %get3A_117 : vector<1x16xi32> to vector<16xi32>
      %ge3A_119 = arith.cmpi sge, %get3A_118, %broadcast_in_dim3A_2 : vector<16xi32>
      %sub3A_120 = arith.subi %get3A_118, %broadcast_in_dim3A_2 : vector<16xi32>
      %select_n3A_121 = arith.select %ge3A_119, %sub3A_120, %broadcast_in_dim3A_0 : vector<16xi1>, vector<16xi32>
      %swap3A_122 = arith.constant 0 : i32
      %swap3A_123 = arith.index_cast %swap3A_122 : i32 to index
      %swap3A_124 = arith.constant 64 : index
      %swap3A_125 = tpu.vector_load %arg12[%swap3A_123, %swap3A_124] {strides = array<i32>} : memref<1x80xi32, #tpu.memory_space<vmem>>, vector<1x16xi32>,
      %swap3A_126 = vector.shape_cast %swap3A_125 : vector<1x16xi32> to vector<16xi32>
      %swap3A_127 = vector.shape_cast %select_n3A_121 : vector<16xi32> to vector<1x16xi32>
      tpu.vector_store %arg12[%swap3A_123, %swap3A_124], %swap3A_127 {strides = array<i32>} : memref<1x80xi32, #tpu.memory_space<vmem>>, vector<1x16xi32>,
      %run_scoped3A = arith.constant 0 : i32
      "tpu.region"() ({
        %run_scoped3A_128 = tpu.sem_alloc : memref<!tpu.dma_semaphore, #tpu.memory_space<semaphore_mem>>
        %dma_start3A = arith.constant 0 : i32
        %dma_start3A_129 = tpu.memref_slice %arg12[%run_scoped3A, %dma_start3A] : memref<1x80xi32, #tpu.memory_space<vmem>> -> memref<1x80xi32, #tpu.memory_space<vmem>>
        %dma_start3A_130 = tpu.memref_squeeze %dma_start3A_129 : memref<1x80xi32, #tpu.memory_space<vmem>> -> memref<80xi32, #tpu.memory_space<vmem>>
        %dma_start3A_131 = arith.constant 0 : i32
        %dma_start3A_132 = arith.constant 0 : i32
        %dma_start3A_133 = tpu.memref_slice %arg16[%dma_start3A_131, %dma_start3A_132] : memref<5248x128xf32, #tpu.memory_space<vmem_shared>> -> memref<5248x128xf32, #tpu.memory_space<vmem_shared>>
        tpu.enqueue_indirect_dma source(%arg15 : memref<80x128xf32, #tpu.memory_space<vmem>>) target(%dma_start3A_133 : memref<5248x128xf32, #tpu.memory_space<vmem_shared>>) offsets(%dma_start3A_130 : memref<80xi32, #tpu.memory_space<vmem>>) semaphore(%run_scoped3A_128 : memref<!tpu.dma_semaphore, #tpu.memory_space<semaphore_mem>>) {add = true}
        %dma_wait3A = arith.constant 0 : i32
        %dma_wait3A_134 = tpu.memref_slice %arg12[%run_scoped3A, %dma_wait3A] : memref<1x80xi32, #tpu.memory_space<vmem>> -> memref<1x80xi32, #tpu.memory_space<vmem>>
        %dma_wait3A_135 = tpu.memref_squeeze %dma_wait3A_134 : memref<1x80xi32, #tpu.memory_space<vmem>> -> memref<80xi32, #tpu.memory_space<vmem>>
        %dma_wait3A_136 = arith.constant 0 : i32
        %dma_wait3A_137 = arith.constant 0 : i32
        %dma_wait3A_138 = tpu.memref_slice %arg16[%dma_wait3A_136, %dma_wait3A_137] : memref<5248x128xf32, #tpu.memory_space<vmem_shared>> -> memref<5248x128xf32, #tpu.memory_space<vmem_shared>>
        tpu.wait_indirect_dma semaphore(%run_scoped3A_128 : memref<!tpu.dma_semaphore, #tpu.memory_space<semaphore_mem>>) src(%arg15 : memref<80x128xf32, #tpu.memory_space<vmem>>) dst(%dma_wait3A_138 : memref<5248x128xf32, #tpu.memory_space<vmem_shared>>)
        tpu.yield
      }) : () -> ()
    }
    %scan3A_58 = arith.constant 125 : i32
    %barrier3A_59 = arith.constant 0 : index
    tpu.barrier barrier_id(%barrier3A_59)
    %mul3A_60 = arith.constant 320 : i32
    %mul3A_61 = arith.muli %arg1, %mul3A_60 : i32
    %mul3A_62 = arith.constant 320 : i32
    %mul3A_63 = arith.muli %arg1, %mul3A_62 : i32
    %add3A_64 = arith.constant 5120 : i32
    %add3A_65 = arith.addi %add3A_64, %mul3A_63 : i32
    "tpu.region"() ({
      %run_scoped3A = tpu.sem_alloc : memref<!tpu.dma_semaphore, #tpu.memory_space<semaphore_mem>>
      %dma_start3A = arith.constant 0 : i32
      %dma_start3A_67 = tpu.memref_slice %arg9[%arg0, %add3A_65, %dma_start3A] : memref<2x10240x128xf32, #tpu.memory_space<hbm>> -> memref<1x320x128xf32, #tpu.memory_space<hbm>>
      %dma_start3A_68 = tpu.memref_squeeze %dma_start3A_67 : memref<1x320x128xf32, #tpu.memory_space<hbm>> -> memref<320x128xf32, #tpu.memory_space<hbm>>
      %dma_start3A_69 = arith.constant 0 : i32
      %dma_start3A_70 = tpu.memref_slice %arg16[%mul3A_61, %dma_start3A_69] : memref<5248x128xf32, #tpu.memory_space<vmem_shared>> -> memref<320x128xf32, #tpu.memory_space<vmem_shared>>
      tpu.enqueue_dma source(%dma_start3A_70 : memref<320x128xf32, #tpu.memory_space<vmem_shared>>) target(%dma_start3A_68 : memref<320x128xf32, #tpu.memory_space<hbm>>) target_semaphore(%run_scoped3A : memref<!tpu.dma_semaphore, #tpu.memory_space<semaphore_mem>>)
      %dma_wait3A = arith.constant 0 : i32
      %dma_wait3A_71 = tpu.memref_slice %arg9[%arg0, %add3A_65, %dma_wait3A] : memref<2x10240x128xf32, #tpu.memory_space<hbm>> -> memref<1x320x128xf32, #tpu.memory_space<hbm>>
      %dma_wait3A_72 = tpu.memref_squeeze %dma_wait3A_71 : memref<1x320x128xf32, #tpu.memory_space<hbm>> -> memref<320x128xf32, #tpu.memory_space<hbm>>
      %dma_wait3A_73 = arith.constant 0 : i32
      %dma_wait3A_74 = tpu.memref_slice %arg16[%mul3A_61, %dma_wait3A_73] : memref<5248x128xf32, #tpu.memory_space<vmem_shared>> -> memref<320x128xf32, #tpu.memory_space<vmem_shared>>
      tpu.wait_dma2 semaphore(%run_scoped3A : memref<!tpu.dma_semaphore, #tpu.memory_space<semaphore_mem>>) src(%dma_wait3A_74 : memref<320x128xf32, #tpu.memory_space<vmem_shared>>) dst(%dma_wait3A_72 : memref<320x128xf32, #tpu.memory_space<hbm>>)
      tpu.yield
    }) : () -> ()
    %barrier3A_66 = arith.constant 0 : index
    tpu.barrier barrier_id(%barrier3A_66)
    return
  }
}

module attributes {stable_mosaic.version = 14 : i64} {
  func.func @_pre_body(%arg0: i32, %arg1: memref<1024x128xf32, #tpu.memory_space<vmem>>, %arg2: memref<128x128xf32, #tpu.memory_space<vmem>>, %arg3: memref<128x128xf32, #tpu.memory_space<vmem>>, %arg4: memref<1x128xf32, #tpu.memory_space<vmem>>, %arg5: memref<1024x128xf32, #tpu.memory_space<vmem>>, %arg6: memref<1024x128xf32, #tpu.memory_space<vmem>>) attributes {dimension_semantics = [#tpu.dimension_semantics<arbitrary>], iteration_bounds = array<i64: 10>, scalar_prefetch = 0 : i64, scratch_operands = 0 : i64, tpu.core_type = #tpu.core_type<tc>, window_params = [{transform_indices = @transform_0, window_bounds = array<i64: 1024, 128>}, {pipeline_mode = #tpu.pipeline_mode<synchronous>, transform_indices = @transform_1, window_bounds = array<i64: 128, 128>}, {pipeline_mode = #tpu.pipeline_mode<synchronous>, transform_indices = @transform_2, window_bounds = array<i64: 128, 128>}, {pipeline_mode = #tpu.pipeline_mode<synchronous>, transform_indices = @transform_3, window_bounds = array<i64: 1, 128>}, {transform_indices = @transform_4, window_bounds = array<i64: 1024, 128>}, {transform_indices = @transform_5, window_bounds = array<i64: 1024, 128>}]} {
    %get3A = arith.constant 0 : index
    %get3A_0 = arith.constant 0 : index
    %get3A_1 = vector.load %arg1[%get3A, %get3A_0] : memref<1024x128xf32, #tpu.memory_space<vmem>>, vector<1024x128xf32>
    %get3A_2 = arith.constant 0 : index
    %get3A_3 = arith.constant 0 : index
    %get3A_4 = vector.load %arg2[%get3A_2, %get3A_3] : memref<128x128xf32, #tpu.memory_space<vmem>>, vector<128x128xf32>
    %dot_general3A = arith.constant dense<0.000000e+00> : vector<1024x128xf32>
    %dot_general3A_5 = tpu.matmul %get3A_1, %get3A_4, %dot_general3A {dimension_numbers = #tpu.dot_dimension_numbers<[1], [0], [0], [1], [0, 0, 1, 1], [], []>, transpose_lhs_hint = false} : vector<1024x128xf32>, vector<128x128xf32>, vector<1024x128xf32> -> vector<1024x128xf32>
    %get3A_6 = arith.constant 0 : index
    %get3A_7 = arith.constant 0 : index
    %get3A_8 = vector.load %arg4[%get3A_6, %get3A_7] : memref<1x128xf32, #tpu.memory_space<vmem>>, vector<1x128xf32>
    %add3A = vector.broadcast %get3A_8 : vector<1x128xf32> to vector<1024x128xf32>
    %add3A_9 = arith.addf %dot_general3A_5, %add3A : vector<1024x128xf32>
    %swap3A = arith.constant 0 : index
    %swap3A_10 = arith.constant 0 : index
    %swap3A_11 = vector.load %arg5[%swap3A, %swap3A_10] : memref<1024x128xf32, #tpu.memory_space<vmem>>, vector<1024x128xf32>
    tpu.vector_store %arg5[%swap3A, %swap3A_10], %add3A_9 {strides = array<i32>} : memref<1024x128xf32, #tpu.memory_space<vmem>>, vector<1024x128xf32>,
    %get3A_12 = arith.constant 0 : index
    %get3A_13 = arith.constant 0 : index
    %get3A_14 = vector.load %arg3[%get3A_12, %get3A_13] : memref<128x128xf32, #tpu.memory_space<vmem>>, vector<128x128xf32>
    %dot_general3A_15 = arith.constant dense<0.000000e+00> : vector<1024x128xf32>
    %dot_general3A_16 = tpu.matmul %get3A_1, %get3A_14, %dot_general3A_15 {dimension_numbers = #tpu.dot_dimension_numbers<[1], [0], [0], [1], [0, 0, 1, 1], [], []>, transpose_lhs_hint = false} : vector<1024x128xf32>, vector<128x128xf32>, vector<1024x128xf32> -> vector<1024x128xf32>
    %swap3A_17 = arith.constant 0 : index
    %swap3A_18 = arith.constant 0 : index
    %swap3A_19 = vector.load %arg6[%swap3A_17, %swap3A_18] : memref<1024x128xf32, #tpu.memory_space<vmem>>, vector<1024x128xf32>
    tpu.vector_store %arg6[%swap3A_17, %swap3A_18], %dot_general3A_16 {strides = array<i32>} : memref<1024x128xf32, #tpu.memory_space<vmem>>, vector<1024x128xf32>,
    return
  }
  func.func @transform_0(%arg0: i32) -> (i32, i32) {
    %c0_i32 = arith.constant 0 : i32
    %c0_i32_0 = arith.constant 0 : i32
    return %arg0, %c0_i32 : i32, i32
  }
  func.func @transform_1(%arg0: i32) -> (i32, i32) {
    %c0_i32 = arith.constant 0 : i32
    %c0_i32_0 = arith.constant 0 : i32
    %c0_i32_1 = arith.constant 0 : i32
    return %c0_i32, %c0_i32_0 : i32, i32
  }
  func.func @transform_2(%arg0: i32) -> (i32, i32) {
    %c0_i32 = arith.constant 0 : i32
    %c0_i32_0 = arith.constant 0 : i32
    %c0_i32_1 = arith.constant 0 : i32
    return %c0_i32, %c0_i32_0 : i32, i32
  }
  func.func @transform_3(%arg0: i32) -> (i32, i32) {
    %c0_i32 = arith.constant 0 : i32
    %c0_i32_0 = arith.constant 0 : i32
    %c0_i32_1 = arith.constant 0 : i32
    return %c0_i32, %c0_i32_0 : i32, i32
  }
  func.func @transform_4(%arg0: i32) -> (i32, i32) {
    %c0_i32 = arith.constant 0 : i32
    %c0_i32_0 = arith.constant 0 : i32
    return %arg0, %c0_i32 : i32, i32
  }
  func.func @transform_5(%arg0: i32) -> (i32, i32) {
    %c0_i32 = arith.constant 0 : i32
    %c0_i32_0 = arith.constant 0 : i32
    return %arg0, %c0_i32 : i32, i32
  }
}

module attributes {stable_mosaic.version = 14 : i64} {
  func.func @_post_body(%arg0: i32, %arg1: memref<2x1024x128xf32, #tpu.memory_space<vmem>>, %arg2: memref<2x1024x128xf32, #tpu.memory_space<vmem>>, %arg3: memref<1024x128xf32, #tpu.memory_space<vmem>>, %arg4: memref<128x128xf32, #tpu.memory_space<vmem>>, %arg5: memref<1x128xf32, #tpu.memory_space<vmem>>, %arg6: memref<128x384xf32, #tpu.memory_space<vmem>>, %arg7: memref<128x384xf32, #tpu.memory_space<vmem>>, %arg8: memref<1x384xf32, #tpu.memory_space<vmem>>, %arg9: memref<1x384xf32, #tpu.memory_space<vmem>>, %arg10: memref<1024x128xf32, #tpu.memory_space<vmem>>) attributes {dimension_semantics = [#tpu.dimension_semantics<arbitrary>], iteration_bounds = array<i64: 10>, scalar_prefetch = 0 : i64, scratch_operands = 0 : i64, tpu.core_type = #tpu.core_type<tc>, window_params = [{transform_indices = @transform_0, window_bounds = array<i64: 2, 1024, 128>}, {transform_indices = @transform_1, window_bounds = array<i64: 2, 1024, 128>}, {transform_indices = @transform_2, window_bounds = array<i64: 1024, 128>}, {pipeline_mode = #tpu.pipeline_mode<synchronous>, transform_indices = @transform_3, window_bounds = array<i64: 128, 128>}, {pipeline_mode = #tpu.pipeline_mode<synchronous>, transform_indices = @transform_4, window_bounds = array<i64: 1, 128>}, {pipeline_mode = #tpu.pipeline_mode<synchronous>, transform_indices = @transform_5, window_bounds = array<i64: 128, 384>}, {pipeline_mode = #tpu.pipeline_mode<synchronous>, transform_indices = @transform_6, window_bounds = array<i64: 128, 384>}, {pipeline_mode = #tpu.pipeline_mode<synchronous>, transform_indices = @transform_7, window_bounds = array<i64: 1, 384>}, {pipeline_mode = #tpu.pipeline_mode<synchronous>, transform_indices = @transform_8, window_bounds = array<i64: 1, 384>}, {transform_indices = @transform_9, window_bounds = array<i64: 1024, 128>}]} {
    %get3A = arith.constant 0 : index
    %get3A_0 = arith.constant 0 : index
    %get3A_1 = arith.constant 0 : index
    %get3A_2 = vector.load %arg1[%get3A, %get3A_0, %get3A_1] : memref<2x1024x128xf32, #tpu.memory_space<vmem>>, vector<1x1024x128xf32>
    %get3A_3 = vector.shape_cast %get3A_2 : vector<1x1024x128xf32> to vector<1024x128xf32>
    %get3A_4 = arith.constant 1 : index
    %get3A_5 = arith.constant 0 : index
    %get3A_6 = arith.constant 0 : index
    %get3A_7 = vector.load %arg1[%get3A_4, %get3A_5, %get3A_6] : memref<2x1024x128xf32, #tpu.memory_space<vmem>>, vector<1x1024x128xf32>
    %get3A_8 = vector.shape_cast %get3A_7 : vector<1x1024x128xf32> to vector<1024x128xf32>
    %add3A = arith.addf %get3A_3, %get3A_8 : vector<1024x128xf32>
    %get3A_9 = arith.constant 0 : index
    %get3A_10 = arith.constant 0 : index
    %get3A_11 = arith.constant 0 : index
    %get3A_12 = vector.load %arg2[%get3A_9, %get3A_10, %get3A_11] : memref<2x1024x128xf32, #tpu.memory_space<vmem>>, vector<1x1024x1xf32>
    %get3A_13 = vector.shape_cast %get3A_12 : vector<1x1024x1xf32> to vector<1024xf32>
    %get3A_14 = arith.constant 1 : index
    %get3A_15 = arith.constant 0 : index
    %get3A_16 = arith.constant 0 : index
    %get3A_17 = vector.load %arg2[%get3A_14, %get3A_15, %get3A_16] : memref<2x1024x128xf32, #tpu.memory_space<vmem>>, vector<1x1024x1xf32>
    %get3A_18 = vector.shape_cast %get3A_17 : vector<1x1024x1xf32> to vector<1024xf32>
    %add3A_19 = arith.addf %get3A_13, %get3A_18 : vector<1024xf32>
    %get3A_20 = arith.constant 0 : index
    %get3A_21 = arith.constant 0 : index
    %get3A_22 = vector.load %arg4[%get3A_20, %get3A_21] : memref<128x128xf32, #tpu.memory_space<vmem>>, vector<128x128xf32>
    %dot_general3A = arith.constant dense<0.000000e+00> : vector<1024x128xf32>
    %dot_general3A_23 = tpu.matmul %add3A, %get3A_22, %dot_general3A {dimension_numbers = #tpu.dot_dimension_numbers<[1], [0], [0], [1], [0, 0, 1, 1], [], []>, transpose_lhs_hint = false} : vector<1024x128xf32>, vector<128x128xf32>, vector<1024x128xf32> -> vector<1024x128xf32>
    %broadcast_in_dim3A = vector.shape_cast %add3A_19 : vector<1024xf32> to vector<1024x1xf32>
    %get3A_24 = arith.constant 0 : index
    %get3A_25 = arith.constant 0 : index
    %get3A_26 = vector.load %arg5[%get3A_24, %get3A_25] : memref<1x128xf32, #tpu.memory_space<vmem>>, vector<1x128xf32>
    %mul3A = vector.broadcast %broadcast_in_dim3A : vector<1024x1xf32> to vector<1024x128xf32>
    %mul3A_27 = vector.broadcast %get3A_26 : vector<1x128xf32> to vector<1024x128xf32>
    %mul3A_28 = arith.mulf %mul3A, %mul3A_27 : vector<1024x128xf32>
    %add3A_29 = arith.addf %dot_general3A_23, %mul3A_28 : vector<1024x128xf32>
    %get3A_30 = arith.constant 0 : index
    %get3A_31 = arith.constant 0 : index
    %get3A_32 = vector.load %arg6[%get3A_30, %get3A_31] : memref<128x384xf32, #tpu.memory_space<vmem>>, vector<128x384xf32>
    %dot_general3A_33 = arith.constant dense<0.000000e+00> : vector<1024x384xf32>
    %dot_general3A_34 = tpu.matmul %add3A_29, %get3A_32, %dot_general3A_33 {dimension_numbers = #tpu.dot_dimension_numbers<[1], [0], [0], [1], [0, 0, 1, 1], [], []>, transpose_lhs_hint = false} : vector<1024x128xf32>, vector<128x384xf32>, vector<1024x384xf32> -> vector<1024x384xf32>
    %get3A_35 = arith.constant 0 : index
    %get3A_36 = arith.constant 0 : index
    %get3A_37 = vector.load %arg8[%get3A_35, %get3A_36] : memref<1x384xf32, #tpu.memory_space<vmem>>, vector<1x384xf32>
    %add3A_38 = vector.broadcast %get3A_37 : vector<1x384xf32> to vector<1024x384xf32>
    %add3A_39 = arith.addf %dot_general3A_34, %add3A_38 : vector<1024x384xf32>
    %get3A_40 = arith.constant 0 : index
    %get3A_41 = arith.constant 0 : index
    %get3A_42 = vector.load %arg3[%get3A_40, %get3A_41] : memref<1024x128xf32, #tpu.memory_space<vmem>>, vector<1024x128xf32>
    %get3A_43 = arith.constant 0 : index
    %get3A_44 = arith.constant 0 : index
    %get3A_45 = vector.load %arg7[%get3A_43, %get3A_44] : memref<128x384xf32, #tpu.memory_space<vmem>>, vector<128x384xf32>
    %dot_general3A_46 = arith.constant dense<0.000000e+00> : vector<1024x384xf32>
    %dot_general3A_47 = tpu.matmul %get3A_42, %get3A_45, %dot_general3A_46 {dimension_numbers = #tpu.dot_dimension_numbers<[1], [0], [0], [1], [0, 0, 1, 1], [], []>, transpose_lhs_hint = false} : vector<1024x128xf32>, vector<128x384xf32>, vector<1024x384xf32> -> vector<1024x384xf32>
    %get3A_48 = arith.constant 0 : index
    %get3A_49 = arith.constant 0 : index
    %get3A_50 = vector.load %arg9[%get3A_48, %get3A_49] : memref<1x384xf32, #tpu.memory_space<vmem>>, vector<1x384xf32>
    %add3A_51 = vector.broadcast %get3A_50 : vector<1x384xf32> to vector<1024x384xf32>
    %add3A_52 = arith.addf %dot_general3A_47, %add3A_51 : vector<1024x384xf32>
    %slice3A = vector.extract_strided_slice %add3A_39 {offsets = [0, 0], sizes = [1024, 128], strides = [1, 1]} : vector<1024x384xf32> to vector<1024x128xf32>
    %slice3A_53 = vector.extract_strided_slice %add3A_52 {offsets = [0, 0], sizes = [1024, 128], strides = [1, 1]} : vector<1024x384xf32> to vector<1024x128xf32>
    %add3A_54 = arith.addf %slice3A, %slice3A_53 : vector<1024x128xf32>
    %logistic3A = arith.negf %add3A_54 : vector<1024x128xf32>
    %logistic3A_55 = math.exp %logistic3A : vector<1024x128xf32>
    %logistic3A_56 = arith.constant 1.000000e+00 : f32
    %logistic3A_57 = vector.broadcast %logistic3A_56 : f32 to vector<1024x128xf32>
    %logistic3A_58 = arith.addf %logistic3A_57, %logistic3A_55 : vector<1024x128xf32>
    %logistic3A_59 = arith.divf %logistic3A_57, %logistic3A_58 : vector<1024x128xf32>
    %slice3A_60 = vector.extract_strided_slice %add3A_39 {offsets = [0, 128], sizes = [1024, 128], strides = [1, 1]} : vector<1024x384xf32> to vector<1024x128xf32>
    %slice3A_61 = vector.extract_strided_slice %add3A_52 {offsets = [0, 128], sizes = [1024, 128], strides = [1, 1]} : vector<1024x384xf32> to vector<1024x128xf32>
    %add3A_62 = arith.addf %slice3A_60, %slice3A_61 : vector<1024x128xf32>
    %logistic3A_63 = arith.negf %add3A_62 : vector<1024x128xf32>
    %logistic3A_64 = math.exp %logistic3A_63 : vector<1024x128xf32>
    %logistic3A_65 = arith.constant 1.000000e+00 : f32
    %logistic3A_66 = vector.broadcast %logistic3A_65 : f32 to vector<1024x128xf32>
    %logistic3A_67 = arith.addf %logistic3A_66, %logistic3A_64 : vector<1024x128xf32>
    %logistic3A_68 = arith.divf %logistic3A_66, %logistic3A_67 : vector<1024x128xf32>
    %slice3A_69 = vector.extract_strided_slice %add3A_39 {offsets = [0, 256], sizes = [1024, 128], strides = [1, 1]} : vector<1024x384xf32> to vector<1024x128xf32>
    %slice3A_70 = vector.extract_strided_slice %add3A_52 {offsets = [0, 256], sizes = [1024, 128], strides = [1, 1]} : vector<1024x384xf32> to vector<1024x128xf32>
    %mul3A_71 = arith.mulf %logistic3A_59, %slice3A_70 : vector<1024x128xf32>
    %add3A_72 = arith.addf %slice3A_69, %mul3A_71 : vector<1024x128xf32>
    %tanh3A = math.tanh %add3A_72 : vector<1024x128xf32>
    %sub3A = arith.constant 1.000000e+00 : f32
    %sub3A_73 = vector.broadcast %sub3A : f32 to vector<1024x128xf32>
    %sub3A_74 = arith.subf %sub3A_73, %logistic3A_68 : vector<1024x128xf32>
    %mul3A_75 = arith.mulf %sub3A_74, %tanh3A : vector<1024x128xf32>
    %mul3A_76 = arith.mulf %logistic3A_68, %get3A_42 : vector<1024x128xf32>
    %add3A_77 = arith.addf %mul3A_75, %mul3A_76 : vector<1024x128xf32>
    %swap3A = arith.constant 0 : index
    %swap3A_78 = arith.constant 0 : index
    %swap3A_79 = vector.load %arg10[%swap3A, %swap3A_78] : memref<1024x128xf32, #tpu.memory_space<vmem>>, vector<1024x128xf32>
    tpu.vector_store %arg10[%swap3A, %swap3A_78], %add3A_77 {strides = array<i32>} : memref<1024x128xf32, #tpu.memory_space<vmem>>, vector<1024x128xf32>,
    return
  }
  func.func @transform_0(%arg0: i32) -> (i32, i32, i32) {
    %c0_i32 = arith.constant 0 : i32
    %c0_i32_0 = arith.constant 0 : i32
    %c0_i32_1 = arith.constant 0 : i32
    return %c0_i32, %arg0, %c0_i32_0 : i32, i32, i32
  }
  func.func @transform_1(%arg0: i32) -> (i32, i32, i32) {
    %c0_i32 = arith.constant 0 : i32
    %c0_i32_0 = arith.constant 0 : i32
    %c0_i32_1 = arith.constant 0 : i32
    return %c0_i32, %arg0, %c0_i32_0 : i32, i32, i32
  }
  func.func @transform_2(%arg0: i32) -> (i32, i32) {
    %c0_i32 = arith.constant 0 : i32
    %c0_i32_0 = arith.constant 0 : i32
    return %arg0, %c0_i32 : i32, i32
  }
  func.func @transform_3(%arg0: i32) -> (i32, i32) {
    %c0_i32 = arith.constant 0 : i32
    %c0_i32_0 = arith.constant 0 : i32
    %c0_i32_1 = arith.constant 0 : i32
    return %c0_i32, %c0_i32_0 : i32, i32
  }
  func.func @transform_4(%arg0: i32) -> (i32, i32) {
    %c0_i32 = arith.constant 0 : i32
    %c0_i32_0 = arith.constant 0 : i32
    %c0_i32_1 = arith.constant 0 : i32
    return %c0_i32, %c0_i32_0 : i32, i32
  }
  func.func @transform_5(%arg0: i32) -> (i32, i32) {
    %c0_i32 = arith.constant 0 : i32
    %c0_i32_0 = arith.constant 0 : i32
    %c0_i32_1 = arith.constant 0 : i32
    return %c0_i32, %c0_i32_0 : i32, i32
  }
  func.func @transform_6(%arg0: i32) -> (i32, i32) {
    %c0_i32 = arith.constant 0 : i32
    %c0_i32_0 = arith.constant 0 : i32
    %c0_i32_1 = arith.constant 0 : i32
    return %c0_i32, %c0_i32_0 : i32, i32
  }
  func.func @transform_7(%arg0: i32) -> (i32, i32) {
    %c0_i32 = arith.constant 0 : i32
    %c0_i32_0 = arith.constant 0 : i32
    %c0_i32_1 = arith.constant 0 : i32
    return %c0_i32, %c0_i32_0 : i32, i32
  }
  func.func @transform_8(%arg0: i32) -> (i32, i32) {
    %c0_i32 = arith.constant 0 : i32
    %c0_i32_0 = arith.constant 0 : i32
    %c0_i32_1 = arith.constant 0 : i32
    return %c0_i32, %c0_i32_0 : i32, i32
  }
  func.func @transform_9(%arg0: i32) -> (i32, i32) {
    %c0_i32 = arith.constant 0 : i32
    %c0_i32_0 = arith.constant 0 : i32
    return %arg0, %c0_i32 : i32, i32
  }
}

</mosaic_0001>

<sc_bundles>
// kernel: kernel.5.cloned.1.call-start
scs
__scs_entry_jumppad:
0x0: {  	(pc) =	sbr.rel $0x88, $3  }
0x1: {  	(tag) =	ssettag $0x0;
	lr =	simm.s32 $0x1  }
0x2: {  	[smem:$0x3F97] =	sst lr;
	_ =	strace $0xD0000000  }
0x3: {  	_ = 	snop  }
0x4: {  	_ = 	snop  }
0x5: {  	_ = 	snop  }
0x6: {  	_ = 	snop  }
0x7: {  	_ = 	snop  }
__scs_overlays_trampoline_lowered:
0x8: {  	[smem:$0x3FA6] =	sst s0  }
0x9: {  	[smem:$0x3FA7] =	sst s1  }
0xa: {  	[smem:$0x3FA8] =	sst s2  }
0xb: {  	[smem:$0x3FA9] =	sst s3  }
0xc: {  	[smem:$0x3FAA] =	sst s4  }
0xd: {  	[smem:$0x3FAB] =	sst s5  }
0xe: {  	[smem:$0x3FAC] =	sst s6  }
0xf: {  	[smem:$0x3FAD] =	sst s7  }
0x10: {  	[smem:$0x3FAE] =	sst s8  }
0x11: {  	[smem:$0x3FAF] =	sst s9;
	s0 =	simm.s32 @!p0 $0x0  }
0x12: {  	s1 =	sld [smem:$0x3F95];
	s0 =	simm.s32 @p0 $0x1  }
0x13: {  	[smem:$0x3FB0] =	sst s0;
	s0 =	simm.s32 @!p1 $0x0  }
0x14: {  	s2 =	sld [smem:$0x3F94];
	s0 =	simm.s32 @p1 $0x1  }
0x15: {  	[smem:$0x3FB1] =	sst s0;
	s0 =	simm.s32 @!p2 $0x0  }
0x16: {  	s3 =	sld [smem:$0x3FDB];
	s0 =	simm.s32 @p2 $0x1  }
0x17: {  	s4 =	simm.s32 $0x1BF5;
	[smem:$0x3FB3] =	sst s0  }
0x18: {  	s0 =	sld [smem:$0x3F96];
	_ =	swait.ge [sflag:s4], $0x0  }
0x19: {  	s7 =	sld [smem:$0x3F97]  }
0x1a: {  	s8 =	sadd.s32 $0xFFFFE003, lr  }
0x1b: {  	s9 =	sadd.s32 $0xFFFFFEF7, lr;
	s5 =	simm.s32 $0xFFFFFFFF;
	p2 =	slt.u32 s8, $0xFFFFF086  }
0x1c: {  	p1 =	slt.u32 s9, $0xF7A;
	s5 =	simm.s32 @!p2 $0x0  }
0x1d: {  	s5 =	simm.s32 @p1 $0x1;
	p0 =	seq.s32 s7, s2  }
0x1e: {  	s7 =	smul.u32 @!p0 $0xF7A, s2;
	p2 =	seq.s32 @!p0 s5, $0x0  }
0x1f: {  	s9 =	smul.u32 $0xF7A, s1;
	s8 =	simm.s32 @!p0 $0x1BF5;
	p2 =	por !p2, p0  }
0x20: {  	[sflag:s8] =	ssyncset.s32 @!p0 $0xFFFFF086;
	s6 =	sadd.s32 @!p0 s3, s7;
	s7 =	simm.s32 @!p0 $0x108  }
0x21: {  	s3 =	sadd.s32 s3, s9;
	s6 =	sadd.s32 @!p0 $0x88, s6;
	s7 =	simm.s32 @p2 $0x1082  }
0x22: {  	[simem:s7], [sflag:s8] =	dma.local @!p0 [hbm:s6], $0xF7A  }
0x23: {  	s9 =	sor.u32 $0xD0000000, s2;
	s6 =	simm.s32 $0x108;
	_ =	swait.ge @!p0 [sflag:s8], $0x0  }
0x24: {  	s3 =	sadd.s32 $0x88, s3;
	s6 =	simm.s32 @!p1 $0x1082;
	[sflag:s4] =	ssyncset.s32 $0xFFFFF086  }
0x25: {  	[simem:s6], [sflag:s4] =	dma.local [hbm:s3], $0xF7A  }
0x26: {  	[smem:$0x3F97] =	sst s1;
	(tag) =	ssettag s2;
	_ =	strace s9  }
0x27: {  	s1 =	sld [smem:$0x3FA7]  }
0x28: {  	s2 =	sld [smem:$0x3FA8]  }
0x29: {  	s4 =	sld [smem:$0x3FAA]  }
0x2a: {  	p0 =	seq.s32 s5, $0x0;
	s5 =	sld [smem:$0x3FAB]  }
0x2b: {  	s6 =	sld [smem:$0x3FAC]  }
0x2c: {  	s7 =	sld [smem:$0x3FAD]  }
0x2d: {  	s3 =	simm.s32 $0x108;
	s8 =	sld [smem:$0x3FAE]  }
0x2e: {  	s3 =	simm.s32 @!p0 $0x1082;
	s9 =	sld [smem:$0x3FAF]  }
0x2f: {  	lr =	sadd.s32 s0, s3;
	s0 =	sld [smem:$0x3FA6]  }
0x30: {  	s3 =	sld [smem:$0x3FA9]  }
0x31: {  	[smem:$0x3FB2] =	sst s10  }
0x32: {  	s10 =	sld [smem:$0x3FB0];
	_ =	sdelay $0x3  }
0x33: {  	p0 =	seq.s32 s10, $0x1;
	s10 =	sld [smem:$0x3FB2];
	_ =	sdelay $0x3  }
0x34: {  	[smem:$0x3FB2] =	sst s10  }
0x35: {  	s10 =	sld [smem:$0x3FB1];
	_ =	sdelay $0x3  }
0x36: {  	p1 =	seq.s32 s10, $0x1;
	s10 =	sld [smem:$0x3FB2];
	_ =	sdelay $0x3  }
0x37: {  	[smem:$0x3FB2] =	sst s10  }
0x38: {  	s10 =	sld [smem:$0x3FB3]  }
0x39: {  	_ = 	snop;
	(pc) =	sbr.ind lr, $3  }
0x3a: {  	_ = 	snop  }
0x3b: {  	_ = 	snop  }
0x3c: {  	p2 =	seq.s32 s10, $0x1;
	s10 =	sld [smem:$0x3FB2]  }
0x3d: {  	_ =	shalt  }
0x3e: {  	_ =	shalt  }
0x3f: {  	_ =	shalt  }
0x40: {  	_ =	shalt  }
0x41: {  	_ =	shalt  }
0x42: {  	_ =	shalt  }
0x43: {  	_ =	shalt  }
0x44: {  	_ =	shalt  }
0x45: {  	_ =	shalt  }
0x46: {  	_ =	shalt  }
0x47: {  	_ =	shalt  }
0x48: {  	_ =	shalt  }
0x49: {  	_ =	shalt  }
0x4a: {  	_ =	shalt  }
0x4b: {  	_ =	shalt  }
0x4c: {  	_ =	shalt  }
0x4d: {  	_ =	shalt  }
0x4e: {  	_ =	shalt  }
0x4f: {  	_ =	shalt  }
0x50: {  	_ =	shalt  }
0x51: {  	_ =	shalt  }
0x52: {  	_ =	shalt  }
0x53: {  	_ =	shalt  }
0x54: {  	_ =	shalt  }
0x55: {  	_ =	shalt  }
0x56: {  	_ =	shalt  }
0x57: {  	_ =	shalt  }
0x58: {  	_ =	shalt  }
0x59: {  	_ =	shalt  }
0x5a: {  	_ =	shalt  }
0x5b: {  	_ =	shalt  }
0x5c: {  	_ =	shalt  }
0x5d: {  	_ =	shalt  }
0x5e: {  	_ =	shalt  }
0x5f: {  	_ =	shalt  }
0x60: {  	_ =	shalt  }
0x61: {  	_ =	shalt  }
0x62: {  	_ =	shalt  }
0x63: {  	_ =	shalt  }
0x64: {  	_ =	shalt  }
0x65: {  	_ =	shalt  }
0x66: {  	_ =	shalt  }
0x67: {  	_ =	shalt  }
0x68: {  	_ =	shalt  }
0x69: {  	_ =	shalt  }
0x6a: {  	_ =	shalt  }
0x6b: {  	_ =	shalt  }
0x6c: {  	_ =	shalt  }
0x6d: {  	_ =	shalt  }
0x6e: {  	_ =	shalt  }
0x6f: {  	_ =	shalt  }
0x70: {  	_ =	shalt  }
0x71: {  	_ =	shalt  }
0x72: {  	_ =	shalt  }
0x73: {  	_ =	shalt  }
0x74: {  	_ =	shalt  }
0x75: {  	_ =	shalt  }
0x76: {  	_ =	shalt  }
0x77: {  	_ =	shalt  }
0x78: {  	_ =	shalt  }
0x79: {  	_ =	shalt  }
0x7a: {  	_ =	shalt  }
0x7b: {  	_ =	shalt  }
0x7c: {  	_ =	shalt  }
0x7d: {  	_ =	shalt  }
0x7e: {  	_ =	shalt  }
0x7f: {  	_ =	shalt  }
0x80: {  	_ =	shalt  }
0x81: {  	_ =	shalt  }
0x82: {  	_ =	shalt  }
0x83: {  	_ =	shalt  }
0x84: {  	_ =	shalt  }
0x85: {  	_ =	shalt  }
0x86: {  	_ =	shalt  }
0x87: {  	_ =	shalt  }
.Lfunc_end0:
.L_simem_size_0:
called_computation_lowered:
.L_overlay_start_0:
0x88: {  	s2 =	sld [smem:$0x3FD9]  }
0x89: {  	s3 =	sld [smem:$0x3FFE];
	_ =	sdelay $0x1  }
0x8a: {  	s1 =	srdreg.scid  }
0x8b: {  	s0 =	sand.u32 $0x1, s1  }
0x8c: {  	s17 =	sshll.u32 s0, $0xA;
	s2 =	sadd.s32 s3, s2  }
0x8d: {  	s2 =	sadd.s32 s2, s17  }
0x8e: {  	[smem:$0x3FBE] =	sst s2  }
0x8f: {  	_ = 	snop  }
0x90: {  	s2 =	sld [smem:$0x3FD0];
	(tm) =	ssettm $0x1  }
0x91: {  	s18 =	sld [smem:$0x3FFB];
	_ =	sdelay $0x3  }
0x92: {  	_ =	strace s18  }
0x93: {  	s3 =	sld [smem:$0x3FFC];
	_ =	sdelay $0x3  }
0x94: {  	_ =	strace s3  }
0x95: {  	s3 =	sld [smem:$0x3FFD];
	_ =	sdelay $0x3  }
0x96: {  	_ =	strace s3  }
0x97: {  	_ =	strace $0x8FFFFFFF  }
0x98: {  	s19 =	sld [smem:$0x3FDB];
	_ =	sdelay $0x1  }
0x99: {  	s4 =	simm.s32 $_scs_section_size  }
0x9a: {  	s5 =	simm.s32 $_size__tile_overlayer_lowered;
	s6 =	simm.s32 $_tile_overlayer_lowered  }
0x9b: {  	s22 =	simm.s32 $0x1BFF;
	s21 =	sshll.u32 s6, $0x1;
	s3 =	sadd.s32 s4, s19  }
0x9c: {  	s7 =	simm.s32 $0x0;
	s20 =	sshll.u32 s5, $0x1;
	s5 =	sadd.s32 s21, s3  }
0x9d: {  	[timem:s7], [sflag:s22] =	dma.local [hbm:s5], s20  }
0x9e: {  	_ =	swait.ge [sflag:s22], s20  }
0x9f: {  	s4 =	ssub.s32 $0x0, s20;
	[sflag:s22] =	ssyncset.done $0x0  }
0xa0: {  	[sflag:s22] =	ssyncadd.s32 s4;
	_ =	sdelay $0x1  }
0xa1: {  	s23 =	simm.s32 $0x1B8B  }
0xa2: {  	_ =	swait.ge [sflag:s23], $0x1  }
0xa3: {  	[sflag:s23] =	ssyncset.done $0x0  }
0xa4: {  	s25 =	simm.s32 $0x1B8E;
	s24 =	sld [smem:$0x3FFE];
	[sflag:s23] =	ssyncadd.s32 $0xFFFFFFFF  }
0xa5: {  	s26 =	simm.s32 $execute0_lowered;
	[smem:$0x3FD2] =	sst s25  }
0xa6: {  	s5 =	sshll.u32 s26, $0x1;
	_ =	strace $0x80000046;
	[dreg:$0x1] =	wrdreg $0xFFFFFFFF  }
0xa7: {  	s28 =	simm.s32 $_size_execute0_lowered;
	s3 =	sadd.s32 s3, s5;
	[dreg:$0x0] =	wrdreg $0x0  }
0xa8: {  	s5 =	sshll.u32 s28, $0x1;
	[dreg:$0x2] =	wrdreg s3  }
0xa9: {  	[dreg:$0x3] =	wrdreg s5  }
0xaa: {  	[dreg:$0x4] =	wrdreg $0xC0  }
0xab: {  	_ =	task [dreg:s7], $0x5FFFF  }
0xac: {  	[dreg:$0x1] =	wrdreg $0xFFFFFFFF  }
0xad: {  	[dreg:$0x0] =	wrdreg $0x60  }
0xae: {  	[dreg:$0x2] =	wrdreg s24  }
0xaf: {  	[dreg:$0x3] =	wrdreg s2  }
0xb0: {  	[dreg:$0x4] =	wrdreg $0xF8800  }
0xb1: {  	[dreg:$0x5] =	wrdreg $0x9  }
0xb2: {  	_ =	task.clear_ibuf [dreg:s7], $0x6FFFF;
	_ =	strace $0x90000046  }
0xb3: {  	s29 =	simm.s32 $0x9;
	_ =	strace $0x80000048  }
0xb4: {  	_ =	swait.ge [sflag:s29], $0x1  }
0xb5: {  	[sflag:s29] =	ssyncadd.s32 $0xFFFFFFFF  }
0xb6: {  	_ =	strace $0x90000048  }
0xb7: {  	_ =	sfence  }
0xb8: {  	s30 =	sld [smem:$0x0];
	_ =	sdelay $0x2  }
0xb9: {  	s31 =	sshll.u32 s1, $0xD;
	s1 =	sshrl.u32 s1, $0x2  }
0xba: {  	s3 =	sand.u32 $0x4000, s31;
	s1 =	sadd.s32 s1, s30  }
0xbb: {  	s0 =	sor.u32 s3, s0;
	s1 =	sshll.u32 s1, $0x11  }
0xbc: {  	s0 =	sor.u32 s1, s0  }
0xbd: {  	s0 =	sadd.s32 $0x8F2B, s0  }
0xbe: {  	[sflag:s0] =	ssyncadd.remote.s32 $0x1  }
0xbf: {  	_ =	sfence.sel $0xFFFF  }
0xc0: {  	[dreg:$0x0] =	wrdreg $0xFFFFFFFF;
	(pc) =	sbr.abs _section_cstart, $3  }
0xc1: {  	[dreg:$0x1] =	wrdreg $0xFFFFFFFF  }
0xc2: {  	_ =	task.clear_ibuf [dreg:s7], $0x2FFFF;
	_ =	strace $0x9FFFFFFF  }
0xc3: {  	(tm) =	ssettm $0x7FFFFFFF  }
tec
execute0_lowered:
.L_overlay_start_1:
0x0: {  	(tag) =	ssettag $0x1  }
0x1: {  	s8 =	rddreg [dreg:$0x0]  }
0x2: {  	s9 =	rddreg [dreg:$0x1]  }
0x3: {  	s2 =	rddreg [dreg:$0x2]  }
0x4: {  	s0 =	rddreg [dreg:$0x3]  }
0x5: {  	s4 =	srdreg.scid;
	s3 =	simm.s32 $0x0;
	s1 =	stileid.u32  }
0x6: {  	s18 =	simm.s32 $0xD080;
	s21 =	simm.s32 $0x50;
	s22 =	simm.s32 $0x8080  }
0x7: {  	s23 =	simm.s32 $0xA880;
	s24 =	simm.s32 $0x8000;
	s25 =	simm.s32 $0x0  }
0x8: {  	s10 =	sand.u32 $0x1, s4;
	[smem:$0x7FF] =	sst s3;
	s5 =	sshll.u32 s1, $0xB  }
0x9: {  	s6 =	sadd.s32 $0x61A00, s8;
	s7 =	sadd.s32 $0x63000, s8;
	s13 =	smul.u32 $0x29000, s1  }
0xa: {  	s14 =	sadd.s32 $0x63600, s8;
	s16 =	sadd.s32 $0xB3600, s8;
	s17 =	smul.u32 $0xA000, s1  }
0xb: {  	s28 =	smul.u32 $0x28000, s1;
	s19 =	sshll.u32 s1, $0x6;
	s4 =	sshll.u32 s10, $0xF  }
0xc: {  	_ =	strace $0x80000047;
	s15 =	ssub.s32 $0x2, s10;
	s10 =	smul.u32 $0x140000, s10  }
0xd: {  	s19 =	sor.u32 $0x1C01, s19;
	s11 =	sor.u32 s5, s4;
	s4 =	sadd.s32 $0x11A00, s8  }
0xe: {  	s5 =	sadd.s32 $0x39A00, s8;
	s26 =	sshrl.u32 s15, $0x1;
	s29 =	sshrl.u32 s13, $0x2  }
0xf: {  	s12 =	sadd.s32 s11, s8;
	s15 =	ssub.s32 s15, s26;
	s8 =	sadd.s32 s9, s11  }
0x10: {  	s10 =	sadd.s32 s17, s10;
	s20 =	sadd.s32 s29, s2;
	s11 =	sshrl.u32 s28, $0x2  }
0x11: {  	s17 =	simm.s32 $0x4000;
	s9 =	sadd.s32 $0x1A00, s12;
	s30 =	sshrl.u32 s10, $0x3  }
0x12: {  	s11 =	sadd.s32 s11, s2;
	s15 =	smax.u32 s15, $0x1;
	s20 =	sshrl.u32 s20, $0x3  }
0x13: {  	s10 =	sadd.s32 s14, s30;
	s31 =	sadd.s32 $0x14000, s30;
	s13 =	sadd.s32 s16, s30  }
0x14: {  	s12 =	sadd.s32 s14, s31;
	s14 =	sadd.s32 s16, s31;
	s16 =	simm.s32 $0x1  }
.LBB2_1:
0x15: {  	[tilespmem:s3], [sflag:$0x1] =	stream.linear.gather [hbm4b:s8+s3], $0x3E80, $0x38;
	[tilespmem:$0x19C80] =	vst v63  }
0x16: {  	_ =	swait.ge [sflag:s16], $0x3E80  }
0x17: {  	[sflag:s16] =	ssyncset.done $0x0  }
0x18: {  	[sflag:s16] =	ssyncadd.s32 $0xFFFFC180  }
0x19: {  	[tilespmem:s17], [sflag:$0x1] =	stream.linear.gather [hbm4b:s9+s3], $0x3E80, $0x38;
	[tilespmem:$0x19C80] =	vst v63  }
0x1a: {  	_ =	swait.ge [sflag:s16], $0x3E80  }
0x1b: {  	[sflag:s16] =	ssyncset.done $0x0  }
0x1c: {  	[sflag:s16] =	ssyncadd.s32 $0xFFFFC180  }
0x1d: {  	[tilespmem:s18], [sflag:$0x1] =	stream.linear.gather [hbm4b:s7+s3], $0x2800, $0x38;
	[tilespmem:$0x19C80] =	vst v63  }
0x1e: {  	_ =	swait.ge [sflag:s16], $0x2800  }
0x1f: {  	[sflag:s16] =	ssyncset.done $0x0  }
0x20: {  	[sflag:s16] =	ssyncadd.s32 $0xFFFFD800  }
0x21: {  	[spmem:s20], [sflag:s19] =	dma.local [hbm:s6], $0x1480  }
0x22: {  	_ =	swait.ge [sflag:s16], $0x1480  }
0x23: {  	[sflag:s16] =	ssyncset.done $0x0  }
0x24: {  	[sflag:s16] =	ssyncadd.s32 $0xFFFFEB80  }
0x25: {  	s26 =	simm.s32 $0x0;
	[bflag:$0x0] =	sbarrier.arrive $0xFFFF  }
.LBB2_2:
0x26: {  	s28 =	sshll.u32 s26, $0x7  }
0x27: {  	v0 =	vld [tilespmem:s28+$0x4000];
	_ =	sdelay $0x4  }
0x28: {  	vm0 =	vlt.s32 v0, $0x1400  }
0x29: {  	v0 =	vnsel vm0, $0x1400, v0  }
0x2a: {  	[tilespmem:$0x8000] =	vst v0  }
0x2b: {  	v0 =	vld [tilespmem:s28+$0x4010];
	_ =	sdelay $0x4  }
0x2c: {  	vm12 =	vlt.s32 v0, $0x1400  }
0x2d: {  	v0 =	vnsel vm12, $0x1400, v0  }
0x2e: {  	[tilespmem:$0x8010] =	vst v0  }
0x2f: {  	v0 =	vld [tilespmem:s28+$0x4020];
	_ =	sdelay $0x4  }
0x30: {  	vm13 =	vlt.s32 v0, $0x1400  }
0x31: {  	v0 =	vnsel vm13, $0x1400, v0  }
0x32: {  	[tilespmem:$0x8020] =	vst v0  }
0x33: {  	v0 =	vld [tilespmem:s28+$0x4030];
	_ =	sdelay $0x4  }
0x34: {  	vm14 =	vlt.s32 v0, $0x1400  }
0x35: {  	v0 =	vnsel vm14, $0x1400, v0  }
0x36: {  	[tilespmem:$0x8030] =	vst v0  }
0x37: {  	v0 =	vld [tilespmem:s28+$0x4040];
	_ =	sdelay $0x4  }
0x38: {  	vm15 =	vlt.s32 v0, $0x1400  }
0x39: {  	v0 =	vnsel vm15, $0x1400, v0  }
0x3a: {  	[tilespmem:$0x8040] =	vst v0  }
0x3b: {  	[tilespmem:s22], [sflag:$0x1] =	stream.indirect.gather [hbm4b:s4+s21], $0x80, s28, s21, $0xb8;
	[tilespmem:$0x19C80] =	vst v63  }
0x3c: {  	_ =	swait.ge [sflag:s16], $0x2800  }
0x3d: {  	[sflag:s16] =	ssyncset.done $0x0  }
0x3e: {  	s28 =	sadd.s32 $0x4000, s28;
	[sflag:s16] =	ssyncadd.s32 $0xFFFFD800  }
0x3f: {  	[tilespmem:s23], [sflag:$0x1] =	stream.indirect.gather [hbm4b:s5+s21], $0x80, s28, s21, $0xb8;
	[tilespmem:$0x19C80] =	vst v63  }
0x40: {  	_ =	swait.ge [sflag:s16], $0x2800  }
0x41: {  	[sflag:s16] =	ssyncset.done $0x0  }
0x42: {  	s28 =	simm.s32 $0x0;
	[sflag:s16] =	ssyncadd.s32 $0xFFFFD800  }
0x43: {  	v6 =	vld [tilespmem:s28+$0xA880]  }
0x44: {  	v11 =	vld [tilespmem:s28+$0xA890]  }
0x45: {  	v5 =	vld [tilespmem:s28+$0xA8A0]  }
0x46: {  	v4 =	vld [tilespmem:s28+$0xA8B0]  }
0x47: {  	v3 =	vld [tilespmem:s28+$0xA8C0]  }
0x48: {  	v2 =	vld [tilespmem:s28+$0xA8D0]  }
0x49: {  	v1 =	vld [tilespmem:s28+$0xA8E0]  }
0x4a: {  	v0 =	vld [tilespmem:s28+$0xA8F0]  }
0x4b: {  	v12 =	vld [tilespmem:s28+$0x8080]  }
0x4c: {  	v13 =	vld [tilespmem:s28+$0x8090]  }
0x4d: {  	v10 =	vld [tilespmem:s28+$0x80A0]  }
0x4e: {  	v9 =	vld [tilespmem:s28+$0x80B0]  }
0x4f: {  	v8 =	vld [tilespmem:s28+$0x80C0]  }
0x50: {  	v7 =	vld [tilespmem:s28+$0x80D0];
	v12 =	vadd.f32 v6, v12  }
0x51: {  	s29 =	simm.s32 $0x200;
	v11 =	vadd.f32 v11, v13;
	v6 =	vld [tilespmem:s28+$0x80E0]  }
.LBB2_3:
0x52: {  	s30 =	sshra.s32 s29, $0x2;
	p0 =	sne.s32 s29, $0x9E00;
	v12 =	vmax.f32 v12, $0.0e+00;
	v5 =	vadd.f32 v5, v10;
	v10 =	vld [tilespmem:s28+$0x80F0]  }
0x53: {  	v13 =	vld [tilespmem:s30+$0xA880];
	[tilespmem:s28+$0x8080] =	vst v12;
	v11 =	vmax.f32 v11, $0.0e+00;
	v4 =	vadd.f32 v4, v9  }
0x54: {  	v14 =	vld [tilespmem:s30+$0xA890];
	[tilespmem:s28+$0x8090] =	vst v11;
	v9 =	vmax.f32 v5, $0.0e+00;
	v3 =	vadd.f32 v3, v8  }
0x55: {  	v5 =	vld [tilespmem:s30+$0xA8A0];
	[tilespmem:s28+$0x80A0] =	vst v9;
	v8 =	vmax.f32 v4, $0.0e+00;
	v2 =	vadd.f32 v2, v7  }
0x56: {  	v4 =	vld [tilespmem:s30+$0xA8B0];
	[tilespmem:s28+$0x80B0] =	vst v8;
	v7 =	vmax.f32 v3, $0.0e+00;
	v1 =	vadd.f32 v1, v6  }
0x57: {  	v3 =	vld [tilespmem:s30+$0xA8C0];
	[tilespmem:s28+$0x80C0] =	vst v7;
	v6 =	vmax.f32 v2, $0.0e+00;
	v0 =	vadd.f32 v0, v10  }
0x58: {  	v2 =	vld [tilespmem:s30+$0xA8D0];
	[tilespmem:s28+$0x80D0] =	vst v6;
	v6 =	vmax.f32 v1, $0.0e+00  }
0x59: {  	v1 =	vld [tilespmem:s30+$0xA8E0];
	[tilespmem:s28+$0x80E0] =	vst v6;
	v6 =	vmax.f32 v0, $0.0e+00  }
0x5a: {  	v0 =	vld [tilespmem:s30+$0xA8F0];
	[tilespmem:s28+$0x80F0] =	vst v6;
	s28 =	smov.u32 s30  }
0x5b: {  	v6 =	vld [tilespmem:s28+$0x8080]  }
0x5c: {  	v11 =	vld [tilespmem:s28+$0x8090]  }
.Ltmp0:
0x5d: {  	v10 =	vld [tilespmem:s28+$0x80A0];
	(pc) =	sbr.rel @p0 .LBB2_3-.Ltmp0, $4  }
0x5e: {  	v9 =	vld [tilespmem:s28+$0x80B0]  }
0x5f: {  	v8 =	vld [tilespmem:s28+$0x80C0]  }
0x60: {  	v12 =	vadd.f32 v13, v6;
	v7 =	vld [tilespmem:s28+$0x80D0]  }
0x61: {  	s29 =	sadd.s32 $0x200, s29;
	v11 =	vadd.f32 v14, v11;
	v6 =	vld [tilespmem:s28+$0x80E0]  }
0x62: {  	v12 =	vmax.f32 v12, $0.0e+00;
	v5 =	vadd.f32 v5, v10;
	v63 =	vld [tilespmem:s28+$0x80F0]  }
0x63: {  	[tilespmem:s28+$0x8080] =	vst v12;
	v11 =	vmax.f32 v11, $0.0e+00;
	v4 =	vadd.f32 v4, v9  }
0x64: {  	[tilespmem:s28+$0x8090] =	vst v11;
	v5 =	vmax.f32 v5, $0.0e+00;
	v3 =	vadd.f32 v3, v8  }
0x65: {  	[tilespmem:s28+$0x80A0] =	vst v5;
	v4 =	vmax.f32 v4, $0.0e+00;
	v2 =	vadd.f32 v2, v7  }
0x66: {  	[tilespmem:s28+$0x80B0] =	vst v4;
	v3 =	vmax.f32 v3, $0.0e+00;
	v1 =	vadd.f32 v1, v6  }
0x67: {  	[tilespmem:s28+$0x80C0] =	vst v3;
	v2 =	vmax.f32 v2, $0.0e+00;
	v0 =	vadd.f32 v0, v63  }
0x68: {  	s26 =	sadd.s32 $0x1, s26;
	[tilespmem:s28+$0x80D0] =	vst v2;
	v1 =	vmax.f32 v1, $0.0e+00  }
0x69: {  	p0 =	sne.s32 s26, $0x7D;
	[tilespmem:s28+$0x80E0] =	vst v1;
	v0 =	vmax.f32 v0, $0.0e+00  }
.Ltmp1:
0x6a: {  	[tilespmem:s28+$0x80F0] =	vst v0;
	(pc) =	sbr.rel @p0 .LBB2_2-.Ltmp1, $4  }
0x6b: {  	[spmem:s2] =	stream.indirect.scatter.add.f32 [tilespmem:s22], [sflag:$0x1], $0x80, s24, s21, $0xb8;
	[tilespmem:$0x19C80] =	vst v63  }
0x6c: {  	_ =	swait.ge [sflag:s16], $0x2800  }
0x6d: {  	[sflag:s16] =	ssyncset.done $0x0  }
0x6e: {  	[sflag:s16] =	ssyncadd.s32 $0xFFFFD800  }
0x6f: {  	[bflag:$0x0] =	sbarrier.arrive $0xFFFF;
	s26 =	sshrl.u32 s11, $0x3  }
0x70: {  	[hbm:s10], [sflag:s19] =	dma.local [spmem:s26], $0x1400  }
0x71: {  	_ =	swait.ge [sflag:s16], $0x1400  }
0x72: {  	[sflag:s16] =	ssyncset.done $0x0  }
0x73: {  	[sflag:s16] =	ssyncadd.s32 $0xFFFFEC00  }
0x74: {  	[bflag:$0x0] =	sbarrier.arrive $0xFFFF  }
0x75: {  	[spmem:s20], [sflag:s19] =	dma.local [hbm:s6], $0x1480  }
0x76: {  	_ =	swait.ge [sflag:s16], $0x1480  }
0x77: {  	[sflag:s16] =	ssyncset.done $0x0  }
0x78: {  	[sflag:s16] =	ssyncadd.s32 $0xFFFFEB80  }
0x79: {  	s28 =	simm.s32 $0x0;
	[bflag:$0x0] =	sbarrier.arrive $0xFFFF  }
.LBB2_6:
0x7a: {  	s29 =	sshll.u32 s28, $0x7  }
0x7b: {  	v0 =	vld [tilespmem:s29+$0x4000];
	_ =	sdelay $0x4  }
0x7c: {  	v1 =	vadd.s32 $0xFFFFEC00, v0;
	vm0 =	vlt.s32 v0, $0x1400  }
0x7d: {  	v0 =	vsel vm0, $0x1400, v1  }
0x7e: {  	[tilespmem:$0x8000] =	vst v0  }
0x7f: {  	v0 =	vld [tilespmem:s29+$0x4010];
	_ =	sdelay $0x4  }
0x80: {  	v1 =	vadd.s32 $0xFFFFEC00, v0;
	vm12 =	vlt.s32 v0, $0x1400  }
0x81: {  	v0 =	vsel vm12, $0x1400, v1  }
0x82: {  	[tilespmem:$0x8010] =	vst v0  }
0x83: {  	v0 =	vld [tilespmem:s29+$0x4020];
	_ =	sdelay $0x4  }
0x84: {  	v1 =	vadd.s32 $0xFFFFEC00, v0;
	vm13 =	vlt.s32 v0, $0x1400  }
0x85: {  	v0 =	vsel vm13, $0x1400, v1  }
0x86: {  	[tilespmem:$0x8020] =	vst v0  }
0x87: {  	v0 =	vld [tilespmem:s29+$0x4030];
	_ =	sdelay $0x4  }
0x88: {  	v1 =	vadd.s32 $0xFFFFEC00, v0;
	vm14 =	vlt.s32 v0, $0x1400  }
0x89: {  	v0 =	vsel vm14, $0x1400, v1  }
0x8a: {  	[tilespmem:$0x8030] =	vst v0  }
0x8b: {  	v0 =	vld [tilespmem:s29+$0x4040];
	_ =	sdelay $0x4  }
0x8c: {  	v1 =	vadd.s32 $0xFFFFEC00, v0;
	vm15 =	vlt.s32 v0, $0x1400  }
0x8d: {  	v0 =	vsel vm15, $0x1400, v1  }
0x8e: {  	[tilespmem:$0x8040] =	vst v0  }
0x8f: {  	[tilespmem:s22], [sflag:$0x1] =	stream.indirect.gather [hbm4b:s4+s21], $0x80, s29, s21, $0xb8;
	[tilespmem:$0x19C80] =	vst v63  }
0x90: {  	_ =	swait.ge [sflag:s16], $0x2800  }
0x91: {  	[sflag:s16] =	ssyncset.done $0x0  }
0x92: {  	s29 =	sadd.s32 $0x4000, s29;
	[sflag:s16] =	ssyncadd.s32 $0xFFFFD800  }
0x93: {  	[tilespmem:s23], [sflag:$0x1] =	stream.indirect.gather [hbm4b:s5+s21], $0x80, s29, s21, $0xb8;
	[tilespmem:$0x19C80] =	vst v63  }
0x94: {  	_ =	swait.ge [sflag:s16], $0x2800  }
0x95: {  	[sflag:s16] =	ssyncset.done $0x0  }
0x96: {  	s29 =	simm.s32 $0x0;
	[sflag:s16] =	ssyncadd.s32 $0xFFFFD800  }
0x97: {  	v6 =	vld [tilespmem:s29+$0xA880]  }
0x98: {  	v11 =	vld [tilespmem:s29+$0xA890]  }
0x99: {  	v5 =	vld [tilespmem:s29+$0xA8A0]  }
0x9a: {  	v4 =	vld [tilespmem:s29+$0xA8B0]  }
0x9b: {  	v3 =	vld [tilespmem:s29+$0xA8C0]  }
0x9c: {  	v2 =	vld [tilespmem:s29+$0xA8D0]  }
0x9d: {  	v1 =	vld [tilespmem:s29+$0xA8E0]  }
0x9e: {  	v0 =	vld [tilespmem:s29+$0xA8F0]  }
0x9f: {  	v12 =	vld [tilespmem:s29+$0x8080]  }
0xa0: {  	v13 =	vld [tilespmem:s29+$0x8090]  }
0xa1: {  	v10 =	vld [tilespmem:s29+$0x80A0]  }
0xa2: {  	v9 =	vld [tilespmem:s29+$0x80B0]  }
0xa3: {  	v8 =	vld [tilespmem:s29+$0x80C0]  }
0xa4: {  	v7 =	vld [tilespmem:s29+$0x80D0];
	v12 =	vadd.f32 v6, v12  }
0xa5: {  	s30 =	simm.s32 $0x200;
	v11 =	vadd.f32 v11, v13;
	v6 =	vld [tilespmem:s29+$0x80E0]  }
.LBB2_7:
0xa6: {  	s31 =	sshra.s32 s30, $0x2;
	p0 =	sne.s32 s30, $0x9E00;
	v12 =	vmax.f32 v12, $0.0e+00;
	v5 =	vadd.f32 v5, v10;
	v10 =	vld [tilespmem:s29+$0x80F0]  }
0xa7: {  	v13 =	vld [tilespmem:s31+$0xA880];
	[tilespmem:s29+$0x8080] =	vst v12;
	v11 =	vmax.f32 v11, $0.0e+00;
	v4 =	vadd.f32 v4, v9  }
0xa8: {  	v14 =	vld [tilespmem:s31+$0xA890];
	[tilespmem:s29+$0x8090] =	vst v11;
	v9 =	vmax.f32 v5, $0.0e+00;
	v3 =	vadd.f32 v3, v8  }
0xa9: {  	v5 =	vld [tilespmem:s31+$0xA8A0];
	[tilespmem:s29+$0x80A0] =	vst v9;
	v8 =	vmax.f32 v4, $0.0e+00;
	v2 =	vadd.f32 v2, v7  }
0xaa: {  	v4 =	vld [tilespmem:s31+$0xA8B0];
	[tilespmem:s29+$0x80B0] =	vst v8;
	v7 =	vmax.f32 v3, $0.0e+00;
	v1 =	vadd.f32 v1, v6  }
0xab: {  	v3 =	vld [tilespmem:s31+$0xA8C0];
	[tilespmem:s29+$0x80C0] =	vst v7;
	v6 =	vmax.f32 v2, $0.0e+00;
	v0 =	vadd.f32 v0, v10  }
0xac: {  	v2 =	vld [tilespmem:s31+$0xA8D0];
	[tilespmem:s29+$0x80D0] =	vst v6;
	v6 =	vmax.f32 v1, $0.0e+00  }
0xad: {  	v1 =	vld [tilespmem:s31+$0xA8E0];
	[tilespmem:s29+$0x80E0] =	vst v6;
	v6 =	vmax.f32 v0, $0.0e+00  }
0xae: {  	v0 =	vld [tilespmem:s31+$0xA8F0];
	[tilespmem:s29+$0x80F0] =	vst v6;
	s29 =	smov.u32 s31  }
0xaf: {  	v6 =	vld [tilespmem:s29+$0x8080]  }
0xb0: {  	v11 =	vld [tilespmem:s29+$0x8090]  }
.Ltmp2:
0xb1: {  	v10 =	vld [tilespmem:s29+$0x80A0];
	(pc) =	sbr.rel @p0 .LBB2_7-.Ltmp2, $4  }
0xb2: {  	v9 =	vld [tilespmem:s29+$0x80B0]  }
0xb3: {  	v8 =	vld [tilespmem:s29+$0x80C0]  }
0xb4: {  	v12 =	vadd.f32 v13, v6;
	v7 =	vld [tilespmem:s29+$0x80D0]  }
0xb5: {  	s30 =	sadd.s32 $0x200, s30;
	v11 =	vadd.f32 v14, v11;
	v6 =	vld [tilespmem:s29+$0x80E0]  }
0xb6: {  	v12 =	vmax.f32 v12, $0.0e+00;
	v5 =	vadd.f32 v5, v10;
	v63 =	vld [tilespmem:s29+$0x80F0]  }
0xb7: {  	[tilespmem:s29+$0x8080] =	vst v12;
	v11 =	vmax.f32 v11, $0.0e+00;
	v4 =	vadd.f32 v4, v9  }
0xb8: {  	[tilespmem:s29+$0x8090] =	vst v11;
	v5 =	vmax.f32 v5, $0.0e+00;
	v3 =	vadd.f32 v3, v8  }
0xb9: {  	[tilespmem:s29+$0x80A0] =	vst v5;
	v4 =	vmax.f32 v4, $0.0e+00;
	v2 =	vadd.f32 v2, v7  }
0xba: {  	[tilespmem:s29+$0x80B0] =	vst v4;
	v3 =	vmax.f32 v3, $0.0e+00;
	v1 =	vadd.f32 v1, v6  }
0xbb: {  	[tilespmem:s29+$0x80C0] =	vst v3;
	v2 =	vmax.f32 v2, $0.0e+00;
	v0 =	vadd.f32 v0, v63  }
0xbc: {  	s28 =	sadd.s32 $0x1, s28;
	[tilespmem:s29+$0x80D0] =	vst v2;
	v1 =	vmax.f32 v1, $0.0e+00  }
0xbd: {  	p0 =	sne.s32 s28, $0x7D;
	[tilespmem:s29+$0x80E0] =	vst v1;
	v0 =	vmax.f32 v0, $0.0e+00  }
.Ltmp3:
0xbe: {  	[tilespmem:s29+$0x80F0] =	vst v0;
	(pc) =	sbr.rel @p0 .LBB2_6-.Ltmp3, $4  }
0xbf: {  	[spmem:s2] =	stream.indirect.scatter.add.f32 [tilespmem:s22], [sflag:$0x1], $0x80, s24, s21, $0xb8;
	[tilespmem:$0x19C80] =	vst v63  }
0xc0: {  	_ =	swait.ge [sflag:s16], $0x2800  }
0xc1: {  	[sflag:s16] =	ssyncset.done $0x0  }
0xc2: {  	[sflag:s16] =	ssyncadd.s32 $0xFFFFD800  }
0xc3: {  	[bflag:$0x0] =	sbarrier.arrive $0xFFFF  }
0xc4: {  	[hbm:s12], [sflag:s19] =	dma.local [spmem:s26], $0x1400  }
0xc5: {  	_ =	swait.ge [sflag:s16], $0x1400  }
0xc6: {  	[sflag:s16] =	ssyncset.done $0x0  }
0xc7: {  	[sflag:s16] =	ssyncadd.s32 $0xFFFFEC00  }
0xc8: {  	[bflag:$0x0] =	sbarrier.arrive $0xFFFF  }
0xc9: {  	[spmem:s20], [sflag:s19] =	dma.local [hbm:s6], $0x1480  }
0xca: {  	_ =	swait.ge [sflag:s16], $0x1480  }
0xcb: {  	[sflag:s16] =	ssyncset.done $0x0  }
0xcc: {  	[sflag:s16] =	ssyncadd.s32 $0xFFFFEB80  }
0xcd: {  	s28 =	simm.s32 $0x0;
	[bflag:$0x0] =	sbarrier.arrive $0xFFFF  }
0xce: {  	v0 =	vld [tilespmem:s28+$0x4000];
	_ =	sdelay $0x4  }
0xcf: {  	vm0 =	vlt.s32 v0, $0x1400  }
0xd0: {  	v0 =	vnsel vm0, $0x1400, v0  }
0xd1: {  	[tilespmem:$0x8000] =	vst v0  }
0xd2: {  	v0 =	vld [tilespmem:s28+$0x4010];
	_ =	sdelay $0x4  }
0xd3: {  	vm12 =	vlt.s32 v0, $0x1400  }
0xd4: {  	v0 =	vnsel vm12, $0x1400, v0  }
0xd5: {  	[tilespmem:$0x8010] =	vst v0  }
0xd6: {  	v0 =	vld [tilespmem:s28+$0x4020];
	_ =	sdelay $0x4  }
0xd7: {  	vm13 =	vlt.s32 v0, $0x1400  }
0xd8: {  	v0 =	vnsel vm13, $0x1400, v0  }
0xd9: {  	[tilespmem:$0x8020] =	vst v0  }
0xda: {  	v0 =	vld [tilespmem:s28+$0x4030];
	_ =	sdelay $0x4  }
0xdb: {  	vm14 =	vlt.s32 v0, $0x1400  }
0xdc: {  	v0 =	vnsel vm14, $0x1400, v0  }
0xdd: {  	[tilespmem:$0x8030] =	vst v0  }
0xde: {  	v0 =	vld [tilespmem:s28+$0x4040];
	_ =	sdelay $0x4  }
0xdf: {  	vm15 =	vlt.s32 v0, $0x1400  }
0xe0: {  	v0 =	vnsel vm15, $0x1400, v0  }
0xe1: {  	[tilespmem:$0x8040] =	vst v0  }
0xe2: {  	[spmem:s2] =	stream.indirect.scatter.add.f32 [tilespmem:s18], [sflag:$0x1], $0x80, s24, s21, $0xb8;
	[tilespmem:$0x19C80] =	vst v63  }
0xe3: {  	_ =	swait.ge [sflag:s16], $0x2800  }
0xe4: {  	s30 =	simm.s32 $0x400;
	s28 =	simm.s32 $0x200;
	[sflag:s16] =	ssyncset.done $0x0  }
.LBB2_10:
0xe5: {  	s31 =	sshra.s32 s28, $0x2  }
0xe6: {  	[sflag:s16] =	ssyncadd.s32 $0xFFFFD800;
	s28 =	smov.u32 s30;
	s29 =	sadd.s32 $0x200, s30  }
0xe7: {  	p0 =	sne.s32 s30, $0xF800;
	v0 =	vld [tilespmem:s31+$0x4000];
	_ =	sdelay $0x4  }
0xe8: {  	vm0 =	vlt.s32 v0, $0x1400  }
0xe9: {  	v0 =	vnsel vm0, $0x1400, v0  }
0xea: {  	[tilespmem:$0x8000] =	vst v0  }
0xeb: {  	v0 =	vld [tilespmem:s31+$0x4010];
	_ =	sdelay $0x4  }
0xec: {  	vm0 =	vlt.s32 v0, $0x1400  }
0xed: {  	v0 =	vnsel vm0, $0x1400, v0  }
0xee: {  	[tilespmem:$0x8010] =	vst v0  }
0xef: {  	v0 =	vld [tilespmem:s31+$0x4020];
	_ =	sdelay $0x4  }
0xf0: {  	vm0 =	vlt.s32 v0, $0x1400  }
0xf1: {  	v0 =	vnsel vm0, $0x1400, v0  }
0xf2: {  	[tilespmem:$0x8020] =	vst v0  }
0xf3: {  	v0 =	vld [tilespmem:s31+$0x4030];
	_ =	sdelay $0x4  }
0xf4: {  	vm0 =	vlt.s32 v0, $0x1400  }
0xf5: {  	v0 =	vnsel vm0, $0x1400, v0  }
0xf6: {  	[tilespmem:$0x8030] =	vst v0  }
0xf7: {  	v0 =	vld [tilespmem:s31+$0x4040];
	_ =	sdelay $0x4  }
0xf8: {  	vm0 =	vlt.s32 v0, $0x1400  }
.Ltmp4:
0xf9: {  	v0 =	vnsel vm0, $0x1400, v0;
	(pc) =	sbr.rel @p0 .LBB2_10-.Ltmp4, $4  }
0xfa: {  	[tilespmem:$0x8040] =	vst v0  }
0xfb: {  	[spmem:s2] =	stream.indirect.scatter.add.f32 [tilespmem:s18], [sflag:$0x1], $0x80, s24, s21, $0xb8;
	[tilespmem:$0x19C80] =	vst v63  }
0xfc: {  	_ =	swait.ge [sflag:s16], $0x2800  }
0xfd: {  	s30 =	smov.u32 s29;
	[sflag:s16] =	ssyncset.done $0x0  }
0xfe: {  	s28 =	sshra.s32 s28, $0x2;
	[sflag:s16] =	ssyncadd.s32 $0xFFFFD800  }
0xff: {  	v0 =	vld [tilespmem:s28+$0x4000];
	_ =	sdelay $0x4  }
0x100: {  	vm0 =	vlt.s32 v0, $0x1400  }
0x101: {  	v0 =	vnsel vm0, $0x1400, v0  }
0x102: {  	[tilespmem:$0x8000] =	vst v0  }
0x103: {  	v0 =	vld [tilespmem:s28+$0x4010];
	_ =	sdelay $0x4  }
0x104: {  	vm7 =	vlt.s32 v0, $0x1400  }
0x105: {  	v0 =	vnsel vm7, $0x1400, v0  }
0x106: {  	[tilespmem:$0x8010] =	vst v0  }
0x107: {  	v0 =	vld [tilespmem:s28+$0x4020];
	_ =	sdelay $0x4  }
0x108: {  	vm8 =	vlt.s32 v0, $0x1400  }
0x109: {  	v0 =	vnsel vm8, $0x1400, v0  }
0x10a: {  	[tilespmem:$0x8020] =	vst v0  }
0x10b: {  	v0 =	vld [tilespmem:s28+$0x4030];
	_ =	sdelay $0x4  }
0x10c: {  	vm9 =	vlt.s32 v0, $0x1400  }
0x10d: {  	v0 =	vnsel vm9, $0x1400, v0  }
0x10e: {  	[tilespmem:$0x8030] =	vst v0  }
0x10f: {  	v0 =	vld [tilespmem:s28+$0x4040];
	_ =	sdelay $0x4  }
0x110: {  	vm10 =	vlt.s32 v0, $0x1400  }
0x111: {  	v0 =	vnsel vm10, $0x1400, v0  }
0x112: {  	[tilespmem:$0x8040] =	vst v0  }
0x113: {  	[spmem:s2] =	stream.indirect.scatter.add.f32 [tilespmem:s18], [sflag:$0x1], $0x80, s24, s21, $0xb8;
	[tilespmem:$0x19C80] =	vst v63  }
0x114: {  	_ =	swait.ge [sflag:s16], $0x2800  }
0x115: {  	[sflag:s16] =	ssyncset.done $0x0  }
0x116: {  	[sflag:s16] =	ssyncadd.s32 $0xFFFFD800  }
0x117: {  	[bflag:$0x0] =	sbarrier.arrive $0xFFFF  }
0x118: {  	[hbm:s13], [sflag:s19] =	dma.local [spmem:s26], $0x1400  }
0x119: {  	_ =	swait.ge [sflag:s16], $0x1400  }
0x11a: {  	[sflag:s16] =	ssyncset.done $0x0  }
0x11b: {  	[sflag:s16] =	ssyncadd.s32 $0xFFFFEC00  }
0x11c: {  	[bflag:$0x0] =	sbarrier.arrive $0xFFFF  }
0x11d: {  	[spmem:s20], [sflag:s19] =	dma.local [hbm:s6], $0x1480  }
0x11e: {  	_ =	swait.ge [sflag:s16], $0x1480  }
0x11f: {  	[sflag:s16] =	ssyncset.done $0x0  }
0x120: {  	[sflag:s16] =	ssyncadd.s32 $0xFFFFEB80  }
0x121: {  	s28 =	simm.s32 $0x0;
	[bflag:$0x0] =	sbarrier.arrive $0xFFFF  }
0x122: {  	v59 =	vld [tilespmem:s28+$0x4000];
	_ =	sdelay $0x4  }
0x123: {  	v1 =	vadd.s32 $0xFFFFEC00, v59;
	vm11 =	vlt.s32 v59, $0x1400  }
0x124: {  	v0 =	vsel vm11, $0x1400, v1  }
0x125: {  	[tilespmem:$0x8000] =	vst v0  }
0x126: {  	v0 =	vld [tilespmem:s28+$0x4010];
	_ =	sdelay $0x4  }
0x127: {  	v60 =	vadd.s32 $0xFFFFEC00, v0;
	vm12 =	vlt.s32 v0, $0x1400  }
0x128: {  	v0 =	vsel vm12, $0x1400, v60  }
0x129: {  	[tilespmem:$0x8010] =	vst v0  }
0x12a: {  	v0 =	vld [tilespmem:s28+$0x4020];
	_ =	sdelay $0x4  }
0x12b: {  	v61 =	vadd.s32 $0xFFFFEC00, v0;
	vm13 =	vlt.s32 v0, $0x1400  }
0x12c: {  	v0 =	vsel vm13, $0x1400, v61  }
0x12d: {  	[tilespmem:$0x8020] =	vst v0  }
0x12e: {  	v0 =	vld [tilespmem:s28+$0x4030];
	_ =	sdelay $0x4  }
0x12f: {  	v62 =	vadd.s32 $0xFFFFEC00, v0;
	vm14 =	vlt.s32 v0, $0x1400  }
0x130: {  	v0 =	vsel vm14, $0x1400, v62  }
0x131: {  	[tilespmem:$0x8030] =	vst v0  }
0x132: {  	v0 =	vld [tilespmem:s28+$0x4040];
	_ =	sdelay $0x4  }
0x133: {  	v63 =	vadd.s32 $0xFFFFEC00, v0;
	vm15 =	vlt.s32 v0, $0x1400  }
0x134: {  	v0 =	vsel vm15, $0x1400, v63  }
0x135: {  	[tilespmem:$0x8040] =	vst v0  }
0x136: {  	[spmem:s2] =	stream.indirect.scatter.add.f32 [tilespmem:s18], [sflag:$0x1], $0x80, s24, s21, $0xb8;
	[tilespmem:$0x19C80] =	vst v63  }
0x137: {  	_ =	swait.ge [sflag:s16], $0x2800  }
0x138: {  	s30 =	simm.s32 $0x400;
	s28 =	simm.s32 $0x200;
	[sflag:s16] =	ssyncset.done $0x0  }
.LBB2_12:
0x139: {  	s31 =	sshra.s32 s28, $0x2  }
0x13a: {  	[sflag:s16] =	ssyncadd.s32 $0xFFFFD800;
	s28 =	smov.u32 s30;
	s29 =	sadd.s32 $0x200, s30  }
0x13b: {  	p0 =	sne.s32 s30, $0xF800;
	v0 =	vld [tilespmem:s31+$0x4000];
	_ =	sdelay $0x4  }
0x13c: {  	v1 =	vadd.s32 $0xFFFFEC00, v0;
	vm0 =	vlt.s32 v0, $0x1400  }
0x13d: {  	v0 =	vsel vm0, $0x1400, v1  }
0x13e: {  	[tilespmem:$0x8000] =	vst v0  }
0x13f: {  	v0 =	vld [tilespmem:s31+$0x4010];
	_ =	sdelay $0x4  }
0x140: {  	v1 =	vadd.s32 $0xFFFFEC00, v0;
	vm0 =	vlt.s32 v0, $0x1400  }
0x141: {  	v0 =	vsel vm0, $0x1400, v1  }
0x142: {  	[tilespmem:$0x8010] =	vst v0  }
0x143: {  	v0 =	vld [tilespmem:s31+$0x4020];
	_ =	sdelay $0x4  }
0x144: {  	v1 =	vadd.s32 $0xFFFFEC00, v0;
	vm0 =	vlt.s32 v0, $0x1400  }
0x145: {  	v0 =	vsel vm0, $0x1400, v1  }
0x146: {  	[tilespmem:$0x8020] =	vst v0  }
0x147: {  	v0 =	vld [tilespmem:s31+$0x4030];
	_ =	sdelay $0x4  }
0x148: {  	v1 =	vadd.s32 $0xFFFFEC00, v0;
	vm0 =	vlt.s32 v0, $0x1400  }
0x149: {  	v0 =	vsel vm0, $0x1400, v1  }
0x14a: {  	[tilespmem:$0x8030] =	vst v0  }
0x14b: {  	v0 =	vld [tilespmem:s31+$0x4040];
	_ =	sdelay $0x4  }
0x14c: {  	v1 =	vadd.s32 $0xFFFFEC00, v0;
	vm0 =	vlt.s32 v0, $0x1400  }
.Ltmp5:
0x14d: {  	v0 =	vsel vm0, $0x1400, v1;
	(pc) =	sbr.rel @p0 .LBB2_12-.Ltmp5, $4  }
0x14e: {  	[tilespmem:$0x8040] =	vst v0  }
0x14f: {  	[spmem:s2] =	stream.indirect.scatter.add.f32 [tilespmem:s18], [sflag:$0x1], $0x80, s24, s21, $0xb8;
	[tilespmem:$0x19C80] =	vst v63  }
0x150: {  	_ =	swait.ge [sflag:s16], $0x2800  }
0x151: {  	s30 =	smov.u32 s29;
	[sflag:s16] =	ssyncset.done $0x0  }
0x152: {  	s28 =	sshra.s32 s28, $0x2;
	[sflag:s16] =	ssyncadd.s32 $0xFFFFD800  }
0x153: {  	v0 =	vld [tilespmem:s28+$0x4000];
	_ =	sdelay $0x4  }
0x154: {  	v1 =	vadd.s32 $0xFFFFEC00, v0;
	vm0 =	vlt.s32 v0, $0x1400  }
0x155: {  	v0 =	vsel vm0, $0x1400, v1  }
0x156: {  	[tilespmem:$0x8000] =	vst v0  }
0x157: {  	v0 =	vld [tilespmem:s28+$0x4010];
	_ =	sdelay $0x4  }
0x158: {  	v60 =	vadd.s32 $0xFFFFEC00, v0;
	vm12 =	vlt.s32 v0, $0x1400  }
0x159: {  	v0 =	vsel vm12, $0x1400, v60  }
0x15a: {  	[tilespmem:$0x8010] =	vst v0  }
0x15b: {  	v0 =	vld [tilespmem:s28+$0x4020];
	_ =	sdelay $0x4  }
0x15c: {  	v61 =	vadd.s32 $0xFFFFEC00, v0;
	vm13 =	vlt.s32 v0, $0x1400  }
0x15d: {  	v0 =	vsel vm13, $0x1400, v61  }
0x15e: {  	[tilespmem:$0x8020] =	vst v0  }
0x15f: {  	v0 =	vld [tilespmem:s28+$0x4030];
	_ =	sdelay $0x4  }
0x160: {  	v62 =	vadd.s32 $0xFFFFEC00, v0;
	vm14 =	vlt.s32 v0, $0x1400  }
0x161: {  	v0 =	vsel vm14, $0x1400, v62  }
0x162: {  	[tilespmem:$0x8030] =	vst v0  }
0x163: {  	v0 =	vld [tilespmem:s28+$0x4040];
	_ =	sdelay $0x4  }
0x164: {  	v63 =	vadd.s32 $0xFFFFEC00, v0;
	vm15 =	vlt.s32 v0, $0x1400  }
0x165: {  	v0 =	vsel vm15, $0x1400, v63  }
0x166: {  	[tilespmem:$0x8040] =	vst v0  }
0x167: {  	[spmem:s2] =	stream.indirect.scatter.add.f32 [tilespmem:s18], [sflag:$0x1], $0x80, s24, s21, $0xb8;
	[tilespmem:$0x19C80] =	vst v63  }
0x168: {  	_ =	swait.ge [sflag:s16], $0x2800  }
0x169: {  	[sflag:s16] =	ssyncset.done $0x0  }
0x16a: {  	s25 =	sadd.s32 $0x1, s25;
	[sflag:s16] =	ssyncadd.s32 $0xFFFFD800  }
0x16b: {  	p0 =	sne.s32 s25, s15;
	[bflag:$0x0] =	sbarrier.arrive $0xFFFF  }
0x16c: {  	[hbm:s14], [sflag:s19] =	dma.local [spmem:s26], $0x1400  }
.Ltmp6:
0x16d: {  	_ =	swait.ge [sflag:s16], $0x1400;
	(pc) =	sbr.rel @p0 .LBB2_1-.Ltmp6, $3  }
0x16e: {  	[sflag:s16] =	ssyncset.done $0x0  }
0x16f: {  	[sflag:s16] =	ssyncadd.s32 $0xFFFFEC00  }
0x170: {  	[bflag:$0x0] =	sbarrier.arrive $0xFFFF;
	_ =	sdelay $0x1  }
0x171: {  	_ =	sfence.sel $0x180000  }
0x172: {  	[bflag:$0x0] =	sbarrier.arrive $0xFFFF  }
0x173: {  	p0 =	sne.s32 s1, $0x0;
	_ =	strace $0x90000047  }
0x174: {  	s0 =	sadd.s32 @!p0 $0x100000, s0;
	[bflag:$0x2] =	sbarrier.arrive $0xFFFF  }
0x175: {  	[sflag:s0] =	ssyncadd.tile.s32 @!p0 $0x1;
	_ =	shalt  }
.Lfunc_end2:
_tile_overlayer_lowered:
.L_overlay_start_2:
0x176: {  	(tag) =	ssettag $0x2  }
0x177: {  	s0 =	rddreg [dreg:$0x0];
	s2 =	stileid.u32  }
0x178: {  	s1 =	rddreg [dreg:$0x1];
	p0 =	sne.s32 s2, $0x0  }
0x179: {  	s3 =	rddreg [dreg:$0x2];
	[bflag:$0x3] =	sbarrier.arrive $0xFFFF;
	s2 =	simm.s32 @!p0 $0x1C01  }
0x17a: {  	[timem:s3], [sflag:s2] =	dma.local @!p0 [hbm:s0], s1  }
0x17b: {  	s0 =	simm.s32 @!p0 $0x1  }
0x17c: {  	_ =	swait.ge @!p0 [sflag:s0], s1  }
0x17d: {  	s1 =	ssub.s32 @!p0 $0x0, s1;
	[sflag:s0] =	ssyncset.done @!p0 $0x0  }
0x17e: {  	[sflag:s0] =	ssyncadd.s32 @!p0 s1  }
0x17f: {  	[bflag:$0x3] =	sbarrier.arrive $0xFFFF  }
0x180: {  	_ =	shalt  }

</sc_bundles>
